<compile_context>
chip_gen: v7x
topology: tpu7x:2x2x1
jax: 0.10.2.dev20260603
libtpu: 0.0.44.dev20260713+nightly
codegen_flags: <defaults>
</compile_context>

<pallas_src>
import functools

import jax
import jax.numpy as jnp
from jax import lax
from jax.experimental import pallas as pl
from jax.experimental.pallas import tpu as pltpu
from jax.experimental.pallas import tpu_sc as plsc

_N = 10000
_E = 320000
_G = 64
_NC = 2
_NS = 16
_L = 16
_NPAD = 10240
_RPT = _NPAD // _NS
_K = 80
_F = _G // _NC

_mesh = plsc.VectorSubcoreMesh(core_axis_name="c", subcore_axis_name="s")
_sc_params = pltpu.CompilerParams(use_tc_tiling_on_sc=False)



@functools.partial(
    pl.kernel,
    out_type=jax.ShapeDtypeStruct((_NC, _NPAD), jnp.float32),
    mesh=_mesh,
    scratch_types=[
        pltpu.VMEM((_K,), jnp.int32),
        pltpu.VMEM((_K,), jnp.float32),
        pltpu.VMEM_SHARED((_NPAD,), jnp.float32),
    ],
    compiler_params=_sc_params,
)
def _deg_kernel(dst_hbm, zeros1_hbm, out_hbm, idx_v, ones_v, deg_sh):
    c = lax.axis_index("c")
    s = lax.axis_index("s")
    for i in range(_K // _L):
        ones_v[pl.ds(i * _L, _L)] = jnp.ones((_L,), jnp.float32)
    pltpu.sync_copy(zeros1_hbm.at[pl.ds(s * _RPT, _RPT)],
                    deg_sh.at[pl.ds(s * _RPT, _RPT)])
    plsc.subcore_barrier()
    epw = _E // (_NC * _NS)
    base = (c * _NS + s) * epw

    def body(j, _):
        pltpu.sync_copy(dst_hbm.at[pl.ds(base + j * _K, _K)], idx_v)
        pltpu.sync_copy(ones_v, deg_sh.at[idx_v], add=True)
        return ()

    lax.fori_loop(0, epw // _K, body, (), unroll=False)
    plsc.subcore_barrier()
    pltpu.sync_copy(deg_sh.at[pl.ds(s * _RPT, _RPT)],
                    out_hbm.at[c, pl.ds(s * _RPT, _RPT)])


@functools.partial(
    pl.kernel,
    out_type=jax.ShapeDtypeStruct((_NC, _NPAD, _F), jnp.float32),
    mesh=_mesh,
    scratch_types=[
        pltpu.VMEM((_K,), jnp.int32),
        pltpu.VMEM((_K,), jnp.int32),
        pltpu.VMEM((_K, _F), jnp.float32),
        pltpu.VMEM_SHARED((_NPAD, _F), jnp.float32),
        pltpu.SemaphoreType.DMA,
    ],
    compiler_params=_sc_params,
)
def _pass_kernel(ta_hbm, tb_hbm, src_hbm, dst_hbm, zeros2_hbm, out_hbm,
                 di_v, si_v, rows_v, acc_sh, sem):
    c = lax.axis_index("c")
    s = lax.axis_index("s")
    pltpu.sync_copy(zeros2_hbm.at[pl.ds(s * _RPT, _RPT)],
                    acc_sh.at[pl.ds(s * _RPT, _RPT)])
    plsc.subcore_barrier()
    epw = _E // _NS
    base = s * epw

    def body(j, _):
        off = base + j * _K
        pltpu.sync_copy(dst_hbm.at[pl.ds(off, _K)], di_v)
        pltpu.sync_copy(src_hbm.at[pl.ds(off, _K)], si_v)

        @pl.when(c == 0)
        def _():
            pltpu.async_copy(ta_hbm.at[di_v], rows_v, sem).wait()

        @pl.when(c == 1)
        def _():
            pltpu.async_copy(tb_hbm.at[di_v], rows_v, sem).wait()

        pltpu.sync_copy(rows_v, acc_sh.at[si_v], add=True)
        return ()

    lax.fori_loop(0, epw // _K, body, (), unroll=False)
    plsc.subcore_barrier()
    pltpu.sync_copy(acc_sh.at[pl.ds(s * _RPT, _RPT)],
                    out_hbm.at[c, pl.ds(s * _RPT, _RPT)])



def _prep_body(batch_ref, degp_ref, u0_ref, dinv_ref, ta_ref, tb_ref):
    b = batch_ref[...]
    gids = lax.broadcasted_iota(jnp.int32, (1, _G), 1)
    onehot = jnp.where(b == gids, 1.0, 0.0)
    counts = jnp.sum(onehot, axis=0, keepdims=True)
    u0 = onehot / jnp.maximum(counts, 1.0)
    deg = degp_ref[0] + degp_ref[1]
    dinv = 1.0 / jnp.maximum(deg, 1.0)
    u0_ref[...] = u0
    dinv_ref[...] = dinv
    t = u0 * dinv
    ta_ref[...] = t[:, :_F]
    tb_ref[...] = t[:, _F:]


def _comb_body(y_ref, dinv_ref, u_ref, ta_ref, tb_ref):
    ya = y_ref[0]
    yb = y_ref[1]
    dinv = dinv_ref[...]
    u_ref[:, :_F] = ya
    u_ref[:, _F:] = yb
    ta_ref[...] = ya * dinv
    tb_ref[...] = yb * dinv


def _final_body(x_ref, u0_ref, u1_ref, u2_ref, y3_ref,
                w1l_ref, w1r_ref, w2l_ref, w2r_ref, w3l_ref, w3r_ref,
                b1l_ref, b2l_ref, b3l_ref, out_ref):
    f32 = jnp.float32

    def dgT(a, b):
        return lax.dot_general(a, b, (((1,), (1,)), ((), ())),
                               preferred_element_type=f32)

    def dgN(a, b):
        return lax.dot_general(a, b, (((0,), (0,)), ((), ())),
                               preferred_element_type=f32)

    x = x_ref[...]
    u3 = jnp.concatenate([y3_ref[0], y3_ref[1]], axis=1)
    us = (u0_ref[...], u1_ref[...], u2_ref[...], u3)
    ones = jnp.ones((_NPAD, 1), f32)
    z = [dgN(u, x) for u in us]
    sv = [dgN(u, ones) for u in us[:3]]

    w1l = w1l_ref[...]; w1r = w1r_ref[...]
    w2l = w2l_ref[...]; w2r = w2r_ref[...]
    w3l = w3l_ref[...]; w3r = w3r_ref[...]
    b1l = b1l_ref[...]; b2l = b2l_ref[...]; b3l = b3l_ref[...]

    def mm(a, b):
        return lax.dot_general(a, b, (((1,), (0,)), ((), ())),
                               preferred_element_type=f32)

    a32 = mm(w3l, w2l); b32 = mm(w3l, w2r)
    c32 = mm(w3r, w2l); d32 = mm(w3r, w2r)
    p3 = mm(a32, w1l)
    p2 = mm(a32, w1r) + mm(b32, w1l) + mm(c32, w1l)
    p1 = mm(b32, w1r) + mm(c32, w1r) + mm(d32, w1l)
    p0 = mm(d32, w1r)

    t2l = dgT(b1l, w2l)
    t2r = dgT(b1l, w2r)
    c2 = dgT(t2l, w3l)
    c1 = dgT(t2l, w3r) + dgT(t2r, w3l) + dgT(b2l, w3l)
    c0 = dgT(t2r, w3r) + dgT(b2l, w3r) + b3l

    pooled = (dgT(z[3], p3) + dgT(z[2], p2) + dgT(z[1], p1) + dgT(z[0], p0)
              + sv[2] * c2 + sv[1] * c1 + sv[0] * c0)

    m = jnp.max(pooled, axis=1, keepdims=True)
    e = pooled - m
    lse = jnp.log(jnp.sum(jnp.exp(e), axis=1, keepdims=True))
    out_ref[...] = e - lse


def _tc_call(body, out_shapes):
    return pl.pallas_call(body, out_shape=out_shapes)



def kernel(x, edge_index, batch, W1l, b1l, W1r, W2l, b2l, W2r, W3l, b3l, W3r):
    f32 = jnp.float32
    src = edge_index[0]
    dst = edge_index[1]
    zeros1 = jnp.zeros((_NPAD,), f32)
    zeros2 = jnp.zeros((_NPAD, _F), f32)

    degp = _deg_kernel(dst, zeros1)

    batch_col = jnp.concatenate(
        [batch, jnp.full((_NPAD - _N,), _G, jnp.int32)]).reshape(_NPAD, 1)
    degp_col = degp.reshape(_NC, _NPAD, 1)

    u0, dinv, ta, tb = _tc_call(
        _prep_body,
        (jax.ShapeDtypeStruct((_NPAD, _G), f32),
         jax.ShapeDtypeStruct((_NPAD, 1), f32),
         jax.ShapeDtypeStruct((_NPAD, _F), f32),
         jax.ShapeDtypeStruct((_NPAD, _F), f32)))(batch_col, degp_col)

    comb = _tc_call(
        _comb_body,
        (jax.ShapeDtypeStruct((_NPAD, _G), f32),
         jax.ShapeDtypeStruct((_NPAD, _F), f32),
         jax.ShapeDtypeStruct((_NPAD, _F), f32)))

    y1 = _pass_kernel(ta, tb, src, dst, zeros2)
    u1, ta, tb = comb(y1, dinv)
    y2 = _pass_kernel(ta, tb, src, dst, zeros2)
    u2, ta, tb = comb(y2, dinv)
    y3 = _pass_kernel(ta, tb, src, dst, zeros2)

    x_pad = jnp.concatenate([x, jnp.zeros((_NPAD - _N, x.shape[1]), f32)])
    out = _tc_call(
        _final_body,
        jax.ShapeDtypeStruct((_G, W3l.shape[0]), f32))(
            x_pad, u0, u1, u2, y3,
            W1l, W1r, W2l, W2r, W3l, W3r,
            b1l.reshape(1, -1), b2l.reshape(1, -1), b3l.reshape(1, -1))
    return out

# --- scband reference (transcript-rebuilt; emitter-appended) ---
"""Pipeline reference for scband-graph-sage-61409442398712 (READ-ONLY COPY).

The authoritative reference and input builder live on the scoring server;
editing this copy changes nothing except your own understanding.
"""

import jax, jax.numpy as jnp
import numpy as np

N = 10000
E = 320000
D = 128
H = 128
C = 40
G = 64


def _lin_init(key, out_dim, in_dim):
    b = 1.0 / np.sqrt(in_dim)
    return jax.random.uniform(key, (out_dim, in_dim), dtype=jnp.float32, minval=-b, maxval=b)


def setup_inputs(seed: int = 0) -> dict:
    key = jax.random.key(seed)
    ks = jax.random.split(key, 16)
    x = jax.random.normal(ks[0], (N, D), dtype=jnp.float32)
    edge_index = jax.random.randint(ks[1], (2, E), 0, N, dtype=jnp.int32)
    batch = jnp.sort(jax.random.randint(ks[2], (N,), 0, G, dtype=jnp.int32))
    # SAGEConv params: lin_l (neighbor aggr, with bias), lin_r (root, no bias)
    W1l = _lin_init(ks[3], H, D)
    b1l = jax.random.uniform(ks[4], (H,), dtype=jnp.float32, minval=-1.0 / np.sqrt(D), maxval=1.0 / np.sqrt(D))
    W1r = _lin_init(ks[5], H, D)
    W2l = _lin_init(ks[6], H, H)
    b2l = jax.random.uniform(ks[7], (H,), dtype=jnp.float32, minval=-1.0 / np.sqrt(H), maxval=1.0 / np.sqrt(H))
    W2r = _lin_init(ks[8], H, H)
    W3l = _lin_init(ks[9], C, H)
    b3l = jax.random.uniform(ks[10], (C,), dtype=jnp.float32, minval=-1.0 / np.sqrt(H), maxval=1.0 / np.sqrt(H))
    W3r = _lin_init(ks[11], C, H)
    return {"x": x, "edge_index": edge_index, "batch": batch,
            "W1l": W1l, "b1l": b1l, "W1r": W1r,
            "W2l": W2l, "b2l": b2l, "W2r": W2r,
            "W3l": W3l, "b3l": b3l, "W3r": W3r}


def _sage_conv(x, edge_index, Wl, bl, Wr):
    src = edge_index[0]
    dst = edge_index[1]
    msg = jnp.take(x, src, axis=0)  # gather source node feats
    agg = jax.ops.segment_sum(msg, dst, num_segments=N)
    deg = jax.ops.segment_sum(jnp.ones((E, 1), dtype=jnp.float32), dst, num_segments=N)
    mean = agg / jnp.clip(deg, 1.0)
    return mean @ Wl.T + bl + x @ Wr.T


def reference(x, edge_index, batch, W1l, b1l, W1r, W2l, b2l, W2r, W3l, b3l, W3r):
    h = _sage_conv(x, edge_index, W1l, b1l, W1r)
    h = _sage_conv(h, edge_index, W2l, b2l, W2r)
    h = _sage_conv(h, edge_index, W3l, b3l, W3r)
    # global_mean_pool over graph-batch ids
    counts = jax.ops.segment_sum(jnp.ones((N, 1), dtype=jnp.float32), batch, num_segments=G)
    pooled = jax.ops.segment_sum(h, batch, num_segments=G) / jnp.clip(counts, 1.0)
    return jax.nn.log_softmax(pooled, axis=-1)

if __name__ == "__main__":
    import jax
    _d = setup_inputs()
    print(jax.jit(kernel)(*tuple(_d.values())))

</pallas_src>

<mosaic_0001>
#map = affine_map<(d0, d1) -> (0)>
#map1 = affine_map<(d0, d1) -> (0, 0)>
module attributes {stable_mosaic.version = 14 : i64} {
  func.func @_deg_kernel(%arg0: i32, %arg1: i32, %arg2: memref<320000xi32, #tpu.memory_space<hbm>>, %arg3: memref<10240xf32, #tpu.memory_space<hbm>>, %arg4: memref<2x10240xf32, #tpu.memory_space<hbm>>, %arg5: memref<80xi32, #tpu.memory_space<vmem>>, %arg6: memref<80xf32, #tpu.memory_space<vmem>>, %arg7: memref<10240xf32, #tpu.memory_space<vmem_shared>>) attributes {dimension_semantics = [#tpu.dimension_semantics<core_parallel>, #tpu.dimension_semantics<subcore_parallel>], iteration_bounds = array<i64: 2, 16>, scalar_prefetch = 0 : i64, scratch_operands = 3 : i64, tpu.core_type = #tpu.core_type<sc_vector_subcore>, window_params = [{transform_indices = #map}, {transform_indices = #map}, {transform_indices = #map1}]} {
    %broadcast_in_dim3A = arith.constant 1.000000e+00 : f32
    %broadcast_in_dim3A_0 = vector.broadcast %broadcast_in_dim3A : f32 to vector<16xf32>
    %swap3A = arith.constant 0 : index
    %swap3A_1 = tpu.vector_load %arg6[%swap3A] {strides = array<i32>} : memref<80xf32, #tpu.memory_space<vmem>>, vector<16xf32>,
    %swap3A_2 = vector.shape_cast %swap3A_1 : vector<16xf32> to vector<16xf32>
    %swap3A_3 = vector.shape_cast %broadcast_in_dim3A_0 : vector<16xf32> to vector<16xf32>
    tpu.vector_store %arg6[%swap3A], %swap3A_3 {strides = array<i32>} : memref<80xf32, #tpu.memory_space<vmem>>, vector<16xf32>,
    %broadcast_in_dim3A_4 = arith.constant 1.000000e+00 : f32
    %broadcast_in_dim3A_5 = vector.broadcast %broadcast_in_dim3A_4 : f32 to vector<16xf32>
    %swap3A_6 = arith.constant 16 : index
    %swap3A_7 = tpu.vector_load %arg6[%swap3A_6] {strides = array<i32>} : memref<80xf32, #tpu.memory_space<vmem>>, vector<16xf32>,
    %swap3A_8 = vector.shape_cast %swap3A_7 : vector<16xf32> to vector<16xf32>
    %swap3A_9 = vector.shape_cast %broadcast_in_dim3A_5 : vector<16xf32> to vector<16xf32>
    tpu.vector_store %arg6[%swap3A_6], %swap3A_9 {strides = array<i32>} : memref<80xf32, #tpu.memory_space<vmem>>, vector<16xf32>,
    %broadcast_in_dim3A_10 = arith.constant 1.000000e+00 : f32
    %broadcast_in_dim3A_11 = vector.broadcast %broadcast_in_dim3A_10 : f32 to vector<16xf32>
    %swap3A_12 = arith.constant 32 : index
    %swap3A_13 = tpu.vector_load %arg6[%swap3A_12] {strides = array<i32>} : memref<80xf32, #tpu.memory_space<vmem>>, vector<16xf32>,
    %swap3A_14 = vector.shape_cast %swap3A_13 : vector<16xf32> to vector<16xf32>
    %swap3A_15 = vector.shape_cast %broadcast_in_dim3A_11 : vector<16xf32> to vector<16xf32>
    tpu.vector_store %arg6[%swap3A_12], %swap3A_15 {strides = array<i32>} : memref<80xf32, #tpu.memory_space<vmem>>, vector<16xf32>,
    %broadcast_in_dim3A_16 = arith.constant 1.000000e+00 : f32
    %broadcast_in_dim3A_17 = vector.broadcast %broadcast_in_dim3A_16 : f32 to vector<16xf32>
    %swap3A_18 = arith.constant 48 : index
    %swap3A_19 = tpu.vector_load %arg6[%swap3A_18] {strides = array<i32>} : memref<80xf32, #tpu.memory_space<vmem>>, vector<16xf32>,
    %swap3A_20 = vector.shape_cast %swap3A_19 : vector<16xf32> to vector<16xf32>
    %swap3A_21 = vector.shape_cast %broadcast_in_dim3A_17 : vector<16xf32> to vector<16xf32>
    tpu.vector_store %arg6[%swap3A_18], %swap3A_21 {strides = array<i32>} : memref<80xf32, #tpu.memory_space<vmem>>, vector<16xf32>,
    %broadcast_in_dim3A_22 = arith.constant 1.000000e+00 : f32
    %broadcast_in_dim3A_23 = vector.broadcast %broadcast_in_dim3A_22 : f32 to vector<16xf32>
    %swap3A_24 = arith.constant 64 : index
    %swap3A_25 = tpu.vector_load %arg6[%swap3A_24] {strides = array<i32>} : memref<80xf32, #tpu.memory_space<vmem>>, vector<16xf32>,
    %swap3A_26 = vector.shape_cast %swap3A_25 : vector<16xf32> to vector<16xf32>
    %swap3A_27 = vector.shape_cast %broadcast_in_dim3A_23 : vector<16xf32> to vector<16xf32>
    tpu.vector_store %arg6[%swap3A_24], %swap3A_27 {strides = array<i32>} : memref<80xf32, #tpu.memory_space<vmem>>, vector<16xf32>,
    %mul3A = arith.constant 640 : i32
    %mul3A_28 = arith.muli %arg1, %mul3A : i32
    %mul3A_29 = arith.constant 640 : i32
    %mul3A_30 = arith.muli %arg1, %mul3A_29 : i32
    "tpu.region"() ({
      %run_scoped3A = tpu.sem_alloc : memref<!tpu.dma_semaphore, #tpu.memory_space<semaphore_mem>>
      %dma_start3A = tpu.memref_slice %arg7[%mul3A_30] : memref<10240xf32, #tpu.memory_space<vmem_shared>> -> memref<640xf32, #tpu.memory_space<vmem_shared>>
      %dma_start3A_44 = tpu.memref_slice %arg3[%mul3A_28] : memref<10240xf32, #tpu.memory_space<hbm>> -> memref<640xf32, #tpu.memory_space<hbm>>
      tpu.enqueue_dma source(%dma_start3A_44 : memref<640xf32, #tpu.memory_space<hbm>>) target(%dma_start3A : memref<640xf32, #tpu.memory_space<vmem_shared>>) target_semaphore(%run_scoped3A : memref<!tpu.dma_semaphore, #tpu.memory_space<semaphore_mem>>)
      %dma_wait3A = tpu.memref_slice %arg7[%mul3A_30] : memref<10240xf32, #tpu.memory_space<vmem_shared>> -> memref<640xf32, #tpu.memory_space<vmem_shared>>
      %dma_wait3A_45 = tpu.memref_slice %arg3[%mul3A_28] : memref<10240xf32, #tpu.memory_space<hbm>> -> memref<640xf32, #tpu.memory_space<hbm>>
      tpu.wait_dma2 semaphore(%run_scoped3A : memref<!tpu.dma_semaphore, #tpu.memory_space<semaphore_mem>>) src(%dma_wait3A_45 : memref<640xf32, #tpu.memory_space<hbm>>) dst(%dma_wait3A : memref<640xf32, #tpu.memory_space<vmem_shared>>)
      tpu.yield
    }) : () -> ()
    %barrier3A = arith.constant 0 : index
    tpu.barrier barrier_id(%barrier3A)
    %mul3A_31 = arith.constant 16 : i32
    %mul3A_32 = arith.muli %arg0, %mul3A_31 : i32
    %add3A = arith.addi %mul3A_32, %arg1 : i32
    %mul3A_33 = arith.constant 10000 : i32
    %mul3A_34 = arith.muli %add3A, %mul3A_33 : i32
    %scan3A = arith.constant 0 : i32
    %scan3A_35 = arith.constant 125 : i32
    %scan3A_36 = arith.addi %scan3A, %scan3A_35 : i32
    %scan3A_37 = arith.constant 1 : i32
    scf.for %scan3A_44 = %scan3A to %scan3A_36 step %scan3A_37  : i32 {
      %mul3A_45 = arith.constant 80 : i32
      %mul3A_46 = arith.muli %scan3A_44, %mul3A_45 : i32
      %add3A_47 = arith.addi %mul3A_34, %mul3A_46 : i32
      "tpu.region"() ({
        %run_scoped3A = tpu.sem_alloc : memref<!tpu.dma_semaphore, #tpu.memory_space<semaphore_mem>>
        %dma_start3A = tpu.memref_slice %arg2[%add3A_47] : memref<320000xi32, #tpu.memory_space<hbm>> -> memref<80xi32, #tpu.memory_space<hbm>>
        %dma_start3A_48 = tpu.memref_slice %arg2[%add3A_47] : memref<320000xi32, #tpu.memory_space<hbm>> -> memref<80xi32, #tpu.memory_space<hbm>>
        tpu.enqueue_dma source(%dma_start3A_48 : memref<80xi32, #tpu.memory_space<hbm>>) target(%arg5 : memref<80xi32, #tpu.memory_space<vmem>>) target_semaphore(%run_scoped3A : memref<!tpu.dma_semaphore, #tpu.memory_space<semaphore_mem>>)
        %dma_wait3A = tpu.memref_slice %arg2[%add3A_47] : memref<320000xi32, #tpu.memory_space<hbm>> -> memref<80xi32, #tpu.memory_space<hbm>>
        %dma_wait3A_49 = tpu.memref_slice %arg2[%add3A_47] : memref<320000xi32, #tpu.memory_space<hbm>> -> memref<80xi32, #tpu.memory_space<hbm>>
        tpu.wait_dma2 semaphore(%run_scoped3A : memref<!tpu.dma_semaphore, #tpu.memory_space<semaphore_mem>>) src(%dma_wait3A_49 : memref<80xi32, #tpu.memory_space<hbm>>) dst(%arg5 : memref<80xi32, #tpu.memory_space<vmem>>)
        tpu.yield
      }) : () -> ()
      "tpu.region"() ({
        %run_scoped3A = tpu.sem_alloc : memref<!tpu.dma_semaphore, #tpu.memory_space<semaphore_mem>>
        %dma_start3A = arith.constant 0 : i32
        %dma_start3A_48 = tpu.memref_slice %arg7[%dma_start3A] : memref<10240xf32, #tpu.memory_space<vmem_shared>> -> memref<10240xf32, #tpu.memory_space<vmem_shared>>
        tpu.enqueue_indirect_dma source(%arg6 : memref<80xf32, #tpu.memory_space<vmem>>) target(%dma_start3A_48 : memref<10240xf32, #tpu.memory_space<vmem_shared>>) offsets(%arg5 : memref<80xi32, #tpu.memory_space<vmem>>) semaphore(%run_scoped3A : memref<!tpu.dma_semaphore, #tpu.memory_space<semaphore_mem>>) {add = true}
        %dma_wait3A = arith.constant 0 : i32
        %dma_wait3A_49 = tpu.memref_slice %arg7[%dma_wait3A] : memref<10240xf32, #tpu.memory_space<vmem_shared>> -> memref<10240xf32, #tpu.memory_space<vmem_shared>>
        tpu.wait_indirect_dma semaphore(%run_scoped3A : memref<!tpu.dma_semaphore, #tpu.memory_space<semaphore_mem>>) src(%arg6 : memref<80xf32, #tpu.memory_space<vmem>>) dst(%dma_wait3A_49 : memref<10240xf32, #tpu.memory_space<vmem_shared>>)
        tpu.yield
      }) : () -> ()
    }
    %scan3A_38 = arith.constant 125 : i32
    %barrier3A_39 = arith.constant 0 : index
    tpu.barrier barrier_id(%barrier3A_39)
    %mul3A_40 = arith.constant 640 : i32
    %mul3A_41 = arith.muli %arg1, %mul3A_40 : i32
    %mul3A_42 = arith.constant 640 : i32
    %mul3A_43 = arith.muli %arg1, %mul3A_42 : i32
    "tpu.region"() ({
      %run_scoped3A = tpu.sem_alloc : memref<!tpu.dma_semaphore, #tpu.memory_space<semaphore_mem>>
      %dma_start3A = tpu.memref_slice %arg4[%arg0, %mul3A_43] : memref<2x10240xf32, #tpu.memory_space<hbm>> -> memref<1x640xf32, #tpu.memory_space<hbm>>
      %dma_start3A_44 = tpu.memref_squeeze %dma_start3A : memref<1x640xf32, #tpu.memory_space<hbm>> -> memref<640xf32, #tpu.memory_space<hbm>>
      %dma_start3A_45 = tpu.memref_slice %arg7[%mul3A_41] : memref<10240xf32, #tpu.memory_space<vmem_shared>> -> memref<640xf32, #tpu.memory_space<vmem_shared>>
      tpu.enqueue_dma source(%dma_start3A_45 : memref<640xf32, #tpu.memory_space<vmem_shared>>) target(%dma_start3A_44 : memref<640xf32, #tpu.memory_space<hbm>>) target_semaphore(%run_scoped3A : memref<!tpu.dma_semaphore, #tpu.memory_space<semaphore_mem>>)
      %dma_wait3A = tpu.memref_slice %arg4[%arg0, %mul3A_43] : memref<2x10240xf32, #tpu.memory_space<hbm>> -> memref<1x640xf32, #tpu.memory_space<hbm>>
      %dma_wait3A_46 = tpu.memref_squeeze %dma_wait3A : memref<1x640xf32, #tpu.memory_space<hbm>> -> memref<640xf32, #tpu.memory_space<hbm>>
      %dma_wait3A_47 = tpu.memref_slice %arg7[%mul3A_41] : memref<10240xf32, #tpu.memory_space<vmem_shared>> -> memref<640xf32, #tpu.memory_space<vmem_shared>>
      tpu.wait_dma2 semaphore(%run_scoped3A : memref<!tpu.dma_semaphore, #tpu.memory_space<semaphore_mem>>) src(%dma_wait3A_47 : memref<640xf32, #tpu.memory_space<vmem_shared>>) dst(%dma_wait3A_46 : memref<640xf32, #tpu.memory_space<hbm>>)
      tpu.yield
    }) : () -> ()
    return
  }
}

#map = affine_map<(d0, d1) -> (0, 0)>
#map1 = affine_map<(d0, d1) -> (0)>
#map2 = affine_map<(d0, d1) -> (0, 0, 0)>
module attributes {stable_mosaic.version = 14 : i64} {
  func.func @_pass_kernel(%arg0: i32, %arg1: i32, %arg2: memref<10240x32xf32, #tpu.memory_space<hbm>>, %arg3: memref<10240x32xf32, #tpu.memory_space<hbm>>, %arg4: memref<320000xi32, #tpu.memory_space<hbm>>, %arg5: memref<320000xi32, #tpu.memory_space<hbm>>, %arg6: memref<10240x32xf32, #tpu.memory_space<hbm>>, %arg7: memref<2x10240x32xf32, #tpu.memory_space<hbm>>, %arg8: memref<80xi32, #tpu.memory_space<vmem>>, %arg9: memref<80xi32, #tpu.memory_space<vmem>>, %arg10: memref<80x32xf32, #tpu.memory_space<vmem>>, %arg11: memref<10240x32xf32, #tpu.memory_space<vmem_shared>>, %arg12: memref<!tpu.dma_semaphore, #tpu.memory_space<semaphore_mem>>) attributes {dimension_semantics = [#tpu.dimension_semantics<core_parallel>, #tpu.dimension_semantics<subcore_parallel>], iteration_bounds = array<i64: 2, 16>, scalar_prefetch = 0 : i64, scratch_operands = 5 : i64, tpu.core_type = #tpu.core_type<sc_vector_subcore>, window_params = [{transform_indices = #map}, {transform_indices = #map}, {transform_indices = #map1}, {transform_indices = #map1}, {transform_indices = #map}, {transform_indices = #map2}]} {
    %mul3A = arith.constant 640 : i32
    %mul3A_0 = arith.muli %arg1, %mul3A : i32
    %mul3A_1 = arith.constant 640 : i32
    %mul3A_2 = arith.muli %arg1, %mul3A_1 : i32
    "tpu.region"() ({
      %run_scoped3A = tpu.sem_alloc : memref<!tpu.dma_semaphore, #tpu.memory_space<semaphore_mem>>
      %dma_start3A = arith.constant 0 : i32
      %dma_start3A_14 = tpu.memref_slice %arg11[%mul3A_2, %dma_start3A] : memref<10240x32xf32, #tpu.memory_space<vmem_shared>> -> memref<640x32xf32, #tpu.memory_space<vmem_shared>>
      %dma_start3A_15 = arith.constant 0 : i32
      %dma_start3A_16 = tpu.memref_slice %arg6[%mul3A_0, %dma_start3A_15] : memref<10240x32xf32, #tpu.memory_space<hbm>> -> memref<640x32xf32, #tpu.memory_space<hbm>>
      tpu.enqueue_dma source(%dma_start3A_16 : memref<640x32xf32, #tpu.memory_space<hbm>>) target(%dma_start3A_14 : memref<640x32xf32, #tpu.memory_space<vmem_shared>>) target_semaphore(%run_scoped3A : memref<!tpu.dma_semaphore, #tpu.memory_space<semaphore_mem>>)
      %dma_wait3A = arith.constant 0 : i32
      %dma_wait3A_17 = tpu.memref_slice %arg11[%mul3A_2, %dma_wait3A] : memref<10240x32xf32, #tpu.memory_space<vmem_shared>> -> memref<640x32xf32, #tpu.memory_space<vmem_shared>>
      %dma_wait3A_18 = arith.constant 0 : i32
      %dma_wait3A_19 = tpu.memref_slice %arg6[%mul3A_0, %dma_wait3A_18] : memref<10240x32xf32, #tpu.memory_space<hbm>> -> memref<640x32xf32, #tpu.memory_space<hbm>>
      tpu.wait_dma2 semaphore(%run_scoped3A : memref<!tpu.dma_semaphore, #tpu.memory_space<semaphore_mem>>) src(%dma_wait3A_19 : memref<640x32xf32, #tpu.memory_space<hbm>>) dst(%dma_wait3A_17 : memref<640x32xf32, #tpu.memory_space<vmem_shared>>)
      tpu.yield
    }) : () -> ()
    %barrier3A = arith.constant 0 : index
    tpu.barrier barrier_id(%barrier3A)
    %mul3A_3 = arith.constant 20000 : i32
    %mul3A_4 = arith.muli %arg1, %mul3A_3 : i32
    %scan3A = arith.constant 0 : i32
    %scan3A_5 = arith.constant 250 : i32
    %scan3A_6 = arith.addi %scan3A, %scan3A_5 : i32
    %scan3A_7 = arith.constant 1 : i32
    scf.for %scan3A_14 = %scan3A to %scan3A_6 step %scan3A_7  : i32 {
      %mul3A_15 = arith.constant 80 : i32
      %mul3A_16 = arith.muli %scan3A_14, %mul3A_15 : i32
      %add3A = arith.addi %mul3A_4, %mul3A_16 : i32
      "tpu.region"() ({
        %run_scoped3A = tpu.sem_alloc : memref<!tpu.dma_semaphore, #tpu.memory_space<semaphore_mem>>
        %dma_start3A = tpu.memref_slice %arg5[%add3A] : memref<320000xi32, #tpu.memory_space<hbm>> -> memref<80xi32, #tpu.memory_space<hbm>>
        %dma_start3A_24 = tpu.memref_slice %arg5[%add3A] : memref<320000xi32, #tpu.memory_space<hbm>> -> memref<80xi32, #tpu.memory_space<hbm>>
        tpu.enqueue_dma source(%dma_start3A_24 : memref<80xi32, #tpu.memory_space<hbm>>) target(%arg8 : memref<80xi32, #tpu.memory_space<vmem>>) target_semaphore(%run_scoped3A : memref<!tpu.dma_semaphore, #tpu.memory_space<semaphore_mem>>)
        %dma_wait3A = tpu.memref_slice %arg5[%add3A] : memref<320000xi32, #tpu.memory_space<hbm>> -> memref<80xi32, #tpu.memory_space<hbm>>
        %dma_wait3A_25 = tpu.memref_slice %arg5[%add3A] : memref<320000xi32, #tpu.memory_space<hbm>> -> memref<80xi32, #tpu.memory_space<hbm>>
        tpu.wait_dma2 semaphore(%run_scoped3A : memref<!tpu.dma_semaphore, #tpu.memory_space<semaphore_mem>>) src(%dma_wait3A_25 : memref<80xi32, #tpu.memory_space<hbm>>) dst(%arg8 : memref<80xi32, #tpu.memory_space<vmem>>)
        tpu.yield
      }) : () -> ()
      "tpu.region"() ({
        %run_scoped3A = tpu.sem_alloc : memref<!tpu.dma_semaphore, #tpu.memory_space<semaphore_mem>>
        %dma_start3A = tpu.memref_slice %arg4[%add3A] : memref<320000xi32, #tpu.memory_space<hbm>> -> memref<80xi32, #tpu.memory_space<hbm>>
        %dma_start3A_24 = tpu.memref_slice %arg4[%add3A] : memref<320000xi32, #tpu.memory_space<hbm>> -> memref<80xi32, #tpu.memory_space<hbm>>
        tpu.enqueue_dma source(%dma_start3A_24 : memref<80xi32, #tpu.memory_space<hbm>>) target(%arg9 : memref<80xi32, #tpu.memory_space<vmem>>) target_semaphore(%run_scoped3A : memref<!tpu.dma_semaphore, #tpu.memory_space<semaphore_mem>>)
        %dma_wait3A = tpu.memref_slice %arg4[%add3A] : memref<320000xi32, #tpu.memory_space<hbm>> -> memref<80xi32, #tpu.memory_space<hbm>>
        %dma_wait3A_25 = tpu.memref_slice %arg4[%add3A] : memref<320000xi32, #tpu.memory_space<hbm>> -> memref<80xi32, #tpu.memory_space<hbm>>
        tpu.wait_dma2 semaphore(%run_scoped3A : memref<!tpu.dma_semaphore, #tpu.memory_space<semaphore_mem>>) src(%dma_wait3A_25 : memref<80xi32, #tpu.memory_space<hbm>>) dst(%arg9 : memref<80xi32, #tpu.memory_space<vmem>>)
        tpu.yield
      }) : () -> ()
      %eq3A = arith.constant 0 : i32
      %eq3A_17 = arith.cmpi eq, %arg0, %eq3A : i32
      %convert_element_type3A = arith.extui %eq3A_17 : i1 to i32
      %cond3A = arith.constant 0 : i32
      %cond3A_18 = arith.cmpi ne, %convert_element_type3A, %cond3A : i32
      scf.if %cond3A_18 {
        %dma_start3A = arith.constant 0 : i32
        %dma_start3A_24 = arith.constant 0 : i32
        %dma_start3A_25 = tpu.memref_slice %arg2[%dma_start3A, %dma_start3A_24] : memref<10240x32xf32, #tpu.memory_space<hbm>> -> memref<10240x32xf32, #tpu.memory_space<hbm>>
        tpu.enqueue_indirect_dma source(%dma_start3A_25 : memref<10240x32xf32, #tpu.memory_space<hbm>>) target(%arg10 : memref<80x32xf32, #tpu.memory_space<vmem>>) offsets(%arg8 : memref<80xi32, #tpu.memory_space<vmem>>) semaphore(%arg12 : memref<!tpu.dma_semaphore, #tpu.memory_space<semaphore_mem>>)
        %dma_wait3A = arith.constant 0 : i32
        %dma_wait3A_26 = arith.constant 0 : i32
        %dma_wait3A_27 = tpu.memref_slice %arg2[%dma_wait3A, %dma_wait3A_26] : memref<10240x32xf32, #tpu.memory_space<hbm>> -> memref<10240x32xf32, #tpu.memory_space<hbm>>
        tpu.wait_indirect_dma semaphore(%arg12 : memref<!tpu.dma_semaphore, #tpu.memory_space<semaphore_mem>>) src(%dma_wait3A_27 : memref<10240x32xf32, #tpu.memory_space<hbm>>) dst(%arg10 : memref<80x32xf32, #tpu.memory_space<vmem>>)
      } else {
      }
      %eq3A_19 = arith.constant 1 : i32
      %eq3A_20 = arith.cmpi eq, %arg0, %eq3A_19 : i32
      %convert_element_type3A_21 = arith.extui %eq3A_20 : i1 to i32
      %cond3A_22 = arith.constant 0 : i32
      %cond3A_23 = arith.cmpi ne, %convert_element_type3A_21, %cond3A_22 : i32
      scf.if %cond3A_23 {
        %dma_start3A = arith.constant 0 : i32
        %dma_start3A_24 = arith.constant 0 : i32
        %dma_start3A_25 = tpu.memref_slice %arg3[%dma_start3A, %dma_start3A_24] : memref<10240x32xf32, #tpu.memory_space<hbm>> -> memref<10240x32xf32, #tpu.memory_space<hbm>>
        tpu.enqueue_indirect_dma source(%dma_start3A_25 : memref<10240x32xf32, #tpu.memory_space<hbm>>) target(%arg10 : memref<80x32xf32, #tpu.memory_space<vmem>>) offsets(%arg8 : memref<80xi32, #tpu.memory_space<vmem>>) semaphore(%arg12 : memref<!tpu.dma_semaphore, #tpu.memory_space<semaphore_mem>>)
        %dma_wait3A = arith.constant 0 : i32
        %dma_wait3A_26 = arith.constant 0 : i32
        %dma_wait3A_27 = tpu.memref_slice %arg3[%dma_wait3A, %dma_wait3A_26] : memref<10240x32xf32, #tpu.memory_space<hbm>> -> memref<10240x32xf32, #tpu.memory_space<hbm>>
        tpu.wait_indirect_dma semaphore(%arg12 : memref<!tpu.dma_semaphore, #tpu.memory_space<semaphore_mem>>) src(%dma_wait3A_27 : memref<10240x32xf32, #tpu.memory_space<hbm>>) dst(%arg10 : memref<80x32xf32, #tpu.memory_space<vmem>>)
      } else {
      }
      "tpu.region"() ({
        %run_scoped3A = tpu.sem_alloc : memref<!tpu.dma_semaphore, #tpu.memory_space<semaphore_mem>>
        %dma_start3A = arith.constant 0 : i32
        %dma_start3A_24 = arith.constant 0 : i32
        %dma_start3A_25 = tpu.memref_slice %arg11[%dma_start3A, %dma_start3A_24] : memref<10240x32xf32, #tpu.memory_space<vmem_shared>> -> memref<10240x32xf32, #tpu.memory_space<vmem_shared>>
        tpu.enqueue_indirect_dma source(%arg10 : memref<80x32xf32, #tpu.memory_space<vmem>>) target(%dma_start3A_25 : memref<10240x32xf32, #tpu.memory_space<vmem_shared>>) offsets(%arg9 : memref<80xi32, #tpu.memory_space<vmem>>) semaphore(%run_scoped3A : memref<!tpu.dma_semaphore, #tpu.memory_space<semaphore_mem>>) {add = true}
        %dma_wait3A = arith.constant 0 : i32
        %dma_wait3A_26 = arith.constant 0 : i32
        %dma_wait3A_27 = tpu.memref_slice %arg11[%dma_wait3A, %dma_wait3A_26] : memref<10240x32xf32, #tpu.memory_space<vmem_shared>> -> memref<10240x32xf32, #tpu.memory_space<vmem_shared>>
        tpu.wait_indirect_dma semaphore(%run_scoped3A : memref<!tpu.dma_semaphore, #tpu.memory_space<semaphore_mem>>) src(%arg10 : memref<80x32xf32, #tpu.memory_space<vmem>>) dst(%dma_wait3A_27 : memref<10240x32xf32, #tpu.memory_space<vmem_shared>>)
        tpu.yield
      }) : () -> ()
    }
    %scan3A_8 = arith.constant 250 : i32
    %barrier3A_9 = arith.constant 0 : index
    tpu.barrier barrier_id(%barrier3A_9)
    %mul3A_10 = arith.constant 640 : i32
    %mul3A_11 = arith.muli %arg1, %mul3A_10 : i32
    %mul3A_12 = arith.constant 640 : i32
    %mul3A_13 = arith.muli %arg1, %mul3A_12 : i32
    "tpu.region"() ({
      %run_scoped3A = tpu.sem_alloc : memref<!tpu.dma_semaphore, #tpu.memory_space<semaphore_mem>>
      %dma_start3A = arith.constant 0 : i32
      %dma_start3A_14 = tpu.memref_slice %arg7[%arg0, %mul3A_13, %dma_start3A] : memref<2x10240x32xf32, #tpu.memory_space<hbm>> -> memref<1x640x32xf32, #tpu.memory_space<hbm>>
      %dma_start3A_15 = tpu.memref_squeeze %dma_start3A_14 : memref<1x640x32xf32, #tpu.memory_space<hbm>> -> memref<640x32xf32, #tpu.memory_space<hbm>>
      %dma_start3A_16 = arith.constant 0 : i32
      %dma_start3A_17 = tpu.memref_slice %arg11[%mul3A_11, %dma_start3A_16] : memref<10240x32xf32, #tpu.memory_space<vmem_shared>> -> memref<640x32xf32, #tpu.memory_space<vmem_shared>>
      tpu.enqueue_dma source(%dma_start3A_17 : memref<640x32xf32, #tpu.memory_space<vmem_shared>>) target(%dma_start3A_15 : memref<640x32xf32, #tpu.memory_space<hbm>>) target_semaphore(%run_scoped3A : memref<!tpu.dma_semaphore, #tpu.memory_space<semaphore_mem>>)
      %dma_wait3A = arith.constant 0 : i32
      %dma_wait3A_18 = tpu.memref_slice %arg7[%arg0, %mul3A_13, %dma_wait3A] : memref<2x10240x32xf32, #tpu.memory_space<hbm>> -> memref<1x640x32xf32, #tpu.memory_space<hbm>>
      %dma_wait3A_19 = tpu.memref_squeeze %dma_wait3A_18 : memref<1x640x32xf32, #tpu.memory_space<hbm>> -> memref<640x32xf32, #tpu.memory_space<hbm>>
      %dma_wait3A_20 = arith.constant 0 : i32
      %dma_wait3A_21 = tpu.memref_slice %arg11[%mul3A_11, %dma_wait3A_20] : memref<10240x32xf32, #tpu.memory_space<vmem_shared>> -> memref<640x32xf32, #tpu.memory_space<vmem_shared>>
      tpu.wait_dma2 semaphore(%run_scoped3A : memref<!tpu.dma_semaphore, #tpu.memory_space<semaphore_mem>>) src(%dma_wait3A_21 : memref<640x32xf32, #tpu.memory_space<vmem_shared>>) dst(%dma_wait3A_19 : memref<640x32xf32, #tpu.memory_space<hbm>>)
      tpu.yield
    }) : () -> ()
    return
  }
}

#map = affine_map<(d0, d1) -> (0, 0)>
#map1 = affine_map<(d0, d1) -> (0)>
#map2 = affine_map<(d0, d1) -> (0, 0, 0)>
module attributes {stable_mosaic.version = 14 : i64} {
  func.func @_pass_kernel(%arg0: i32, %arg1: i32, %arg2: memref<10240x32xf32, #tpu.memory_space<hbm>>, %arg3: memref<10240x32xf32, #tpu.memory_space<hbm>>, %arg4: memref<320000xi32, #tpu.memory_space<hbm>>, %arg5: memref<320000xi32, #tpu.memory_space<hbm>>, %arg6: memref<10240x32xf32, #tpu.memory_space<hbm>>, %arg7: memref<2x10240x32xf32, #tpu.memory_space<hbm>>, %arg8: memref<80xi32, #tpu.memory_space<vmem>>, %arg9: memref<80xi32, #tpu.memory_space<vmem>>, %arg10: memref<80x32xf32, #tpu.memory_space<vmem>>, %arg11: memref<10240x32xf32, #tpu.memory_space<vmem_shared>>, %arg12: memref<!tpu.dma_semaphore, #tpu.memory_space<semaphore_mem>>) attributes {dimension_semantics = [#tpu.dimension_semantics<core_parallel>, #tpu.dimension_semantics<subcore_parallel>], iteration_bounds = array<i64: 2, 16>, scalar_prefetch = 0 : i64, scratch_operands = 5 : i64, tpu.core_type = #tpu.core_type<sc_vector_subcore>, window_params = [{transform_indices = #map}, {transform_indices = #map}, {transform_indices = #map1}, {transform_indices = #map1}, {transform_indices = #map}, {transform_indices = #map2}]} {
    %mul3A = arith.constant 640 : i32
    %mul3A_0 = arith.muli %arg1, %mul3A : i32
    %mul3A_1 = arith.constant 640 : i32
    %mul3A_2 = arith.muli %arg1, %mul3A_1 : i32
    "tpu.region"() ({
      %run_scoped3A = tpu.sem_alloc : memref<!tpu.dma_semaphore, #tpu.memory_space<semaphore_mem>>
      %dma_start3A = arith.constant 0 : i32
      %dma_start3A_14 = tpu.memref_slice %arg11[%mul3A_2, %dma_start3A] : memref<10240x32xf32, #tpu.memory_space<vmem_shared>> -> memref<640x32xf32, #tpu.memory_space<vmem_shared>>
      %dma_start3A_15 = arith.constant 0 : i32
      %dma_start3A_16 = tpu.memref_slice %arg6[%mul3A_0, %dma_start3A_15] : memref<10240x32xf32, #tpu.memory_space<hbm>> -> memref<640x32xf32, #tpu.memory_space<hbm>>
      tpu.enqueue_dma source(%dma_start3A_16 : memref<640x32xf32, #tpu.memory_space<hbm>>) target(%dma_start3A_14 : memref<640x32xf32, #tpu.memory_space<vmem_shared>>) target_semaphore(%run_scoped3A : memref<!tpu.dma_semaphore, #tpu.memory_space<semaphore_mem>>)
      %dma_wait3A = arith.constant 0 : i32
      %dma_wait3A_17 = tpu.memref_slice %arg11[%mul3A_2, %dma_wait3A] : memref<10240x32xf32, #tpu.memory_space<vmem_shared>> -> memref<640x32xf32, #tpu.memory_space<vmem_shared>>
      %dma_wait3A_18 = arith.constant 0 : i32
      %dma_wait3A_19 = tpu.memref_slice %arg6[%mul3A_0, %dma_wait3A_18] : memref<10240x32xf32, #tpu.memory_space<hbm>> -> memref<640x32xf32, #tpu.memory_space<hbm>>
      tpu.wait_dma2 semaphore(%run_scoped3A : memref<!tpu.dma_semaphore, #tpu.memory_space<semaphore_mem>>) src(%dma_wait3A_19 : memref<640x32xf32, #tpu.memory_space<hbm>>) dst(%dma_wait3A_17 : memref<640x32xf32, #tpu.memory_space<vmem_shared>>)
      tpu.yield
    }) : () -> ()
    %barrier3A = arith.constant 0 : index
    tpu.barrier barrier_id(%barrier3A)
    %mul3A_3 = arith.constant 20000 : i32
    %mul3A_4 = arith.muli %arg1, %mul3A_3 : i32
    %scan3A = arith.constant 0 : i32
    %scan3A_5 = arith.constant 250 : i32
    %scan3A_6 = arith.addi %scan3A, %scan3A_5 : i32
    %scan3A_7 = arith.constant 1 : i32
    scf.for %scan3A_14 = %scan3A to %scan3A_6 step %scan3A_7  : i32 {
      %mul3A_15 = arith.constant 80 : i32
      %mul3A_16 = arith.muli %scan3A_14, %mul3A_15 : i32
      %add3A = arith.addi %mul3A_4, %mul3A_16 : i32
      "tpu.region"() ({
        %run_scoped3A = tpu.sem_alloc : memref<!tpu.dma_semaphore, #tpu.memory_space<semaphore_mem>>
        %dma_start3A = tpu.memref_slice %arg5[%add3A] : memref<320000xi32, #tpu.memory_space<hbm>> -> memref<80xi32, #tpu.memory_space<hbm>>
        %dma_start3A_24 = tpu.memref_slice %arg5[%add3A] : memref<320000xi32, #tpu.memory_space<hbm>> -> memref<80xi32, #tpu.memory_space<hbm>>
        tpu.enqueue_dma source(%dma_start3A_24 : memref<80xi32, #tpu.memory_space<hbm>>) target(%arg8 : memref<80xi32, #tpu.memory_space<vmem>>) target_semaphore(%run_scoped3A : memref<!tpu.dma_semaphore, #tpu.memory_space<semaphore_mem>>)
        %dma_wait3A = tpu.memref_slice %arg5[%add3A] : memref<320000xi32, #tpu.memory_space<hbm>> -> memref<80xi32, #tpu.memory_space<hbm>>
        %dma_wait3A_25 = tpu.memref_slice %arg5[%add3A] : memref<320000xi32, #tpu.memory_space<hbm>> -> memref<80xi32, #tpu.memory_space<hbm>>
        tpu.wait_dma2 semaphore(%run_scoped3A : memref<!tpu.dma_semaphore, #tpu.memory_space<semaphore_mem>>) src(%dma_wait3A_25 : memref<80xi32, #tpu.memory_space<hbm>>) dst(%arg8 : memref<80xi32, #tpu.memory_space<vmem>>)
        tpu.yield
      }) : () -> ()
      "tpu.region"() ({
        %run_scoped3A = tpu.sem_alloc : memref<!tpu.dma_semaphore, #tpu.memory_space<semaphore_mem>>
        %dma_start3A = tpu.memref_slice %arg4[%add3A] : memref<320000xi32, #tpu.memory_space<hbm>> -> memref<80xi32, #tpu.memory_space<hbm>>
        %dma_start3A_24 = tpu.memref_slice %arg4[%add3A] : memref<320000xi32, #tpu.memory_space<hbm>> -> memref<80xi32, #tpu.memory_space<hbm>>
        tpu.enqueue_dma source(%dma_start3A_24 : memref<80xi32, #tpu.memory_space<hbm>>) target(%arg9 : memref<80xi32, #tpu.memory_space<vmem>>) target_semaphore(%run_scoped3A : memref<!tpu.dma_semaphore, #tpu.memory_space<semaphore_mem>>)
        %dma_wait3A = tpu.memref_slice %arg4[%add3A] : memref<320000xi32, #tpu.memory_space<hbm>> -> memref<80xi32, #tpu.memory_space<hbm>>
        %dma_wait3A_25 = tpu.memref_slice %arg4[%add3A] : memref<320000xi32, #tpu.memory_space<hbm>> -> memref<80xi32, #tpu.memory_space<hbm>>
        tpu.wait_dma2 semaphore(%run_scoped3A : memref<!tpu.dma_semaphore, #tpu.memory_space<semaphore_mem>>) src(%dma_wait3A_25 : memref<80xi32, #tpu.memory_space<hbm>>) dst(%arg9 : memref<80xi32, #tpu.memory_space<vmem>>)
        tpu.yield
      }) : () -> ()
      %eq3A = arith.constant 0 : i32
      %eq3A_17 = arith.cmpi eq, %arg0, %eq3A : i32
      %convert_element_type3A = arith.extui %eq3A_17 : i1 to i32
      %cond3A = arith.constant 0 : i32
      %cond3A_18 = arith.cmpi ne, %convert_element_type3A, %cond3A : i32
      scf.if %cond3A_18 {
        %dma_start3A = arith.constant 0 : i32
        %dma_start3A_24 = arith.constant 0 : i32
        %dma_start3A_25 = tpu.memref_slice %arg2[%dma_start3A, %dma_start3A_24] : memref<10240x32xf32, #tpu.memory_space<hbm>> -> memref<10240x32xf32, #tpu.memory_space<hbm>>
        tpu.enqueue_indirect_dma source(%dma_start3A_25 : memref<10240x32xf32, #tpu.memory_space<hbm>>) target(%arg10 : memref<80x32xf32, #tpu.memory_space<vmem>>) offsets(%arg8 : memref<80xi32, #tpu.memory_space<vmem>>) semaphore(%arg12 : memref<!tpu.dma_semaphore, #tpu.memory_space<semaphore_mem>>)
        %dma_wait3A = arith.constant 0 : i32
        %dma_wait3A_26 = arith.constant 0 : i32
        %dma_wait3A_27 = tpu.memref_slice %arg2[%dma_wait3A, %dma_wait3A_26] : memref<10240x32xf32, #tpu.memory_space<hbm>> -> memref<10240x32xf32, #tpu.memory_space<hbm>>
        tpu.wait_indirect_dma semaphore(%arg12 : memref<!tpu.dma_semaphore, #tpu.memory_space<semaphore_mem>>) src(%dma_wait3A_27 : memref<10240x32xf32, #tpu.memory_space<hbm>>) dst(%arg10 : memref<80x32xf32, #tpu.memory_space<vmem>>)
      } else {
      }
      %eq3A_19 = arith.constant 1 : i32
      %eq3A_20 = arith.cmpi eq, %arg0, %eq3A_19 : i32
      %convert_element_type3A_21 = arith.extui %eq3A_20 : i1 to i32
      %cond3A_22 = arith.constant 0 : i32
      %cond3A_23 = arith.cmpi ne, %convert_element_type3A_21, %cond3A_22 : i32
      scf.if %cond3A_23 {
        %dma_start3A = arith.constant 0 : i32
        %dma_start3A_24 = arith.constant 0 : i32
        %dma_start3A_25 = tpu.memref_slice %arg3[%dma_start3A, %dma_start3A_24] : memref<10240x32xf32, #tpu.memory_space<hbm>> -> memref<10240x32xf32, #tpu.memory_space<hbm>>
        tpu.enqueue_indirect_dma source(%dma_start3A_25 : memref<10240x32xf32, #tpu.memory_space<hbm>>) target(%arg10 : memref<80x32xf32, #tpu.memory_space<vmem>>) offsets(%arg8 : memref<80xi32, #tpu.memory_space<vmem>>) semaphore(%arg12 : memref<!tpu.dma_semaphore, #tpu.memory_space<semaphore_mem>>)
        %dma_wait3A = arith.constant 0 : i32
        %dma_wait3A_26 = arith.constant 0 : i32
        %dma_wait3A_27 = tpu.memref_slice %arg3[%dma_wait3A, %dma_wait3A_26] : memref<10240x32xf32, #tpu.memory_space<hbm>> -> memref<10240x32xf32, #tpu.memory_space<hbm>>
        tpu.wait_indirect_dma semaphore(%arg12 : memref<!tpu.dma_semaphore, #tpu.memory_space<semaphore_mem>>) src(%dma_wait3A_27 : memref<10240x32xf32, #tpu.memory_space<hbm>>) dst(%arg10 : memref<80x32xf32, #tpu.memory_space<vmem>>)
      } else {
      }
      "tpu.region"() ({
        %run_scoped3A = tpu.sem_alloc : memref<!tpu.dma_semaphore, #tpu.memory_space<semaphore_mem>>
        %dma_start3A = arith.constant 0 : i32
        %dma_start3A_24 = arith.constant 0 : i32
        %dma_start3A_25 = tpu.memref_slice %arg11[%dma_start3A, %dma_start3A_24] : memref<10240x32xf32, #tpu.memory_space<vmem_shared>> -> memref<10240x32xf32, #tpu.memory_space<vmem_shared>>
        tpu.enqueue_indirect_dma source(%arg10 : memref<80x32xf32, #tpu.memory_space<vmem>>) target(%dma_start3A_25 : memref<10240x32xf32, #tpu.memory_space<vmem_shared>>) offsets(%arg9 : memref<80xi32, #tpu.memory_space<vmem>>) semaphore(%run_scoped3A : memref<!tpu.dma_semaphore, #tpu.memory_space<semaphore_mem>>) {add = true}
        %dma_wait3A = arith.constant 0 : i32
        %dma_wait3A_26 = arith.constant 0 : i32
        %dma_wait3A_27 = tpu.memref_slice %arg11[%dma_wait3A, %dma_wait3A_26] : memref<10240x32xf32, #tpu.memory_space<vmem_shared>> -> memref<10240x32xf32, #tpu.memory_space<vmem_shared>>
        tpu.wait_indirect_dma semaphore(%run_scoped3A : memref<!tpu.dma_semaphore, #tpu.memory_space<semaphore_mem>>) src(%arg10 : memref<80x32xf32, #tpu.memory_space<vmem>>) dst(%dma_wait3A_27 : memref<10240x32xf32, #tpu.memory_space<vmem_shared>>)
        tpu.yield
      }) : () -> ()
    }
    %scan3A_8 = arith.constant 250 : i32
    %barrier3A_9 = arith.constant 0 : index
    tpu.barrier barrier_id(%barrier3A_9)
    %mul3A_10 = arith.constant 640 : i32
    %mul3A_11 = arith.muli %arg1, %mul3A_10 : i32
    %mul3A_12 = arith.constant 640 : i32
    %mul3A_13 = arith.muli %arg1, %mul3A_12 : i32
    "tpu.region"() ({
      %run_scoped3A = tpu.sem_alloc : memref<!tpu.dma_semaphore, #tpu.memory_space<semaphore_mem>>
      %dma_start3A = arith.constant 0 : i32
      %dma_start3A_14 = tpu.memref_slice %arg7[%arg0, %mul3A_13, %dma_start3A] : memref<2x10240x32xf32, #tpu.memory_space<hbm>> -> memref<1x640x32xf32, #tpu.memory_space<hbm>>
      %dma_start3A_15 = tpu.memref_squeeze %dma_start3A_14 : memref<1x640x32xf32, #tpu.memory_space<hbm>> -> memref<640x32xf32, #tpu.memory_space<hbm>>
      %dma_start3A_16 = arith.constant 0 : i32
      %dma_start3A_17 = tpu.memref_slice %arg11[%mul3A_11, %dma_start3A_16] : memref<10240x32xf32, #tpu.memory_space<vmem_shared>> -> memref<640x32xf32, #tpu.memory_space<vmem_shared>>
      tpu.enqueue_dma source(%dma_start3A_17 : memref<640x32xf32, #tpu.memory_space<vmem_shared>>) target(%dma_start3A_15 : memref<640x32xf32, #tpu.memory_space<hbm>>) target_semaphore(%run_scoped3A : memref<!tpu.dma_semaphore, #tpu.memory_space<semaphore_mem>>)
      %dma_wait3A = arith.constant 0 : i32
      %dma_wait3A_18 = tpu.memref_slice %arg7[%arg0, %mul3A_13, %dma_wait3A] : memref<2x10240x32xf32, #tpu.memory_space<hbm>> -> memref<1x640x32xf32, #tpu.memory_space<hbm>>
      %dma_wait3A_19 = tpu.memref_squeeze %dma_wait3A_18 : memref<1x640x32xf32, #tpu.memory_space<hbm>> -> memref<640x32xf32, #tpu.memory_space<hbm>>
      %dma_wait3A_20 = arith.constant 0 : i32
      %dma_wait3A_21 = tpu.memref_slice %arg11[%mul3A_11, %dma_wait3A_20] : memref<10240x32xf32, #tpu.memory_space<vmem_shared>> -> memref<640x32xf32, #tpu.memory_space<vmem_shared>>
      tpu.wait_dma2 semaphore(%run_scoped3A : memref<!tpu.dma_semaphore, #tpu.memory_space<semaphore_mem>>) src(%dma_wait3A_21 : memref<640x32xf32, #tpu.memory_space<vmem_shared>>) dst(%dma_wait3A_19 : memref<640x32xf32, #tpu.memory_space<hbm>>)
      tpu.yield
    }) : () -> ()
    return
  }
}

#map = affine_map<(d0, d1) -> (0, 0)>
#map1 = affine_map<(d0, d1) -> (0)>
#map2 = affine_map<(d0, d1) -> (0, 0, 0)>
module attributes {stable_mosaic.version = 14 : i64} {
  func.func @_pass_kernel(%arg0: i32, %arg1: i32, %arg2: memref<10240x32xf32, #tpu.memory_space<hbm>>, %arg3: memref<10240x32xf32, #tpu.memory_space<hbm>>, %arg4: memref<320000xi32, #tpu.memory_space<hbm>>, %arg5: memref<320000xi32, #tpu.memory_space<hbm>>, %arg6: memref<10240x32xf32, #tpu.memory_space<hbm>>, %arg7: memref<2x10240x32xf32, #tpu.memory_space<hbm>>, %arg8: memref<80xi32, #tpu.memory_space<vmem>>, %arg9: memref<80xi32, #tpu.memory_space<vmem>>, %arg10: memref<80x32xf32, #tpu.memory_space<vmem>>, %arg11: memref<10240x32xf32, #tpu.memory_space<vmem_shared>>, %arg12: memref<!tpu.dma_semaphore, #tpu.memory_space<semaphore_mem>>) attributes {dimension_semantics = [#tpu.dimension_semantics<core_parallel>, #tpu.dimension_semantics<subcore_parallel>], iteration_bounds = array<i64: 2, 16>, scalar_prefetch = 0 : i64, scratch_operands = 5 : i64, tpu.core_type = #tpu.core_type<sc_vector_subcore>, window_params = [{transform_indices = #map}, {transform_indices = #map}, {transform_indices = #map1}, {transform_indices = #map1}, {transform_indices = #map}, {transform_indices = #map2}]} {
    %mul3A = arith.constant 640 : i32
    %mul3A_0 = arith.muli %arg1, %mul3A : i32
    %mul3A_1 = arith.constant 640 : i32
    %mul3A_2 = arith.muli %arg1, %mul3A_1 : i32
    "tpu.region"() ({
      %run_scoped3A = tpu.sem_alloc : memref<!tpu.dma_semaphore, #tpu.memory_space<semaphore_mem>>
      %dma_start3A = arith.constant 0 : i32
      %dma_start3A_14 = tpu.memref_slice %arg11[%mul3A_2, %dma_start3A] : memref<10240x32xf32, #tpu.memory_space<vmem_shared>> -> memref<640x32xf32, #tpu.memory_space<vmem_shared>>
      %dma_start3A_15 = arith.constant 0 : i32
      %dma_start3A_16 = tpu.memref_slice %arg6[%mul3A_0, %dma_start3A_15] : memref<10240x32xf32, #tpu.memory_space<hbm>> -> memref<640x32xf32, #tpu.memory_space<hbm>>
      tpu.enqueue_dma source(%dma_start3A_16 : memref<640x32xf32, #tpu.memory_space<hbm>>) target(%dma_start3A_14 : memref<640x32xf32, #tpu.memory_space<vmem_shared>>) target_semaphore(%run_scoped3A : memref<!tpu.dma_semaphore, #tpu.memory_space<semaphore_mem>>)
      %dma_wait3A = arith.constant 0 : i32
      %dma_wait3A_17 = tpu.memref_slice %arg11[%mul3A_2, %dma_wait3A] : memref<10240x32xf32, #tpu.memory_space<vmem_shared>> -> memref<640x32xf32, #tpu.memory_space<vmem_shared>>
      %dma_wait3A_18 = arith.constant 0 : i32
      %dma_wait3A_19 = tpu.memref_slice %arg6[%mul3A_0, %dma_wait3A_18] : memref<10240x32xf32, #tpu.memory_space<hbm>> -> memref<640x32xf32, #tpu.memory_space<hbm>>
      tpu.wait_dma2 semaphore(%run_scoped3A : memref<!tpu.dma_semaphore, #tpu.memory_space<semaphore_mem>>) src(%dma_wait3A_19 : memref<640x32xf32, #tpu.memory_space<hbm>>) dst(%dma_wait3A_17 : memref<640x32xf32, #tpu.memory_space<vmem_shared>>)
      tpu.yield
    }) : () -> ()
    %barrier3A = arith.constant 0 : index
    tpu.barrier barrier_id(%barrier3A)
    %mul3A_3 = arith.constant 20000 : i32
    %mul3A_4 = arith.muli %arg1, %mul3A_3 : i32
    %scan3A = arith.constant 0 : i32
    %scan3A_5 = arith.constant 250 : i32
    %scan3A_6 = arith.addi %scan3A, %scan3A_5 : i32
    %scan3A_7 = arith.constant 1 : i32
    scf.for %scan3A_14 = %scan3A to %scan3A_6 step %scan3A_7  : i32 {
      %mul3A_15 = arith.constant 80 : i32
      %mul3A_16 = arith.muli %scan3A_14, %mul3A_15 : i32
      %add3A = arith.addi %mul3A_4, %mul3A_16 : i32
      "tpu.region"() ({
        %run_scoped3A = tpu.sem_alloc : memref<!tpu.dma_semaphore, #tpu.memory_space<semaphore_mem>>
        %dma_start3A = tpu.memref_slice %arg5[%add3A] : memref<320000xi32, #tpu.memory_space<hbm>> -> memref<80xi32, #tpu.memory_space<hbm>>
        %dma_start3A_24 = tpu.memref_slice %arg5[%add3A] : memref<320000xi32, #tpu.memory_space<hbm>> -> memref<80xi32, #tpu.memory_space<hbm>>
        tpu.enqueue_dma source(%dma_start3A_24 : memref<80xi32, #tpu.memory_space<hbm>>) target(%arg8 : memref<80xi32, #tpu.memory_space<vmem>>) target_semaphore(%run_scoped3A : memref<!tpu.dma_semaphore, #tpu.memory_space<semaphore_mem>>)
        %dma_wait3A = tpu.memref_slice %arg5[%add3A] : memref<320000xi32, #tpu.memory_space<hbm>> -> memref<80xi32, #tpu.memory_space<hbm>>
        %dma_wait3A_25 = tpu.memref_slice %arg5[%add3A] : memref<320000xi32, #tpu.memory_space<hbm>> -> memref<80xi32, #tpu.memory_space<hbm>>
        tpu.wait_dma2 semaphore(%run_scoped3A : memref<!tpu.dma_semaphore, #tpu.memory_space<semaphore_mem>>) src(%dma_wait3A_25 : memref<80xi32, #tpu.memory_space<hbm>>) dst(%arg8 : memref<80xi32, #tpu.memory_space<vmem>>)
        tpu.yield
      }) : () -> ()
      "tpu.region"() ({
        %run_scoped3A = tpu.sem_alloc : memref<!tpu.dma_semaphore, #tpu.memory_space<semaphore_mem>>
        %dma_start3A = tpu.memref_slice %arg4[%add3A] : memref<320000xi32, #tpu.memory_space<hbm>> -> memref<80xi32, #tpu.memory_space<hbm>>
        %dma_start3A_24 = tpu.memref_slice %arg4[%add3A] : memref<320000xi32, #tpu.memory_space<hbm>> -> memref<80xi32, #tpu.memory_space<hbm>>
        tpu.enqueue_dma source(%dma_start3A_24 : memref<80xi32, #tpu.memory_space<hbm>>) target(%arg9 : memref<80xi32, #tpu.memory_space<vmem>>) target_semaphore(%run_scoped3A : memref<!tpu.dma_semaphore, #tpu.memory_space<semaphore_mem>>)
        %dma_wait3A = tpu.memref_slice %arg4[%add3A] : memref<320000xi32, #tpu.memory_space<hbm>> -> memref<80xi32, #tpu.memory_space<hbm>>
        %dma_wait3A_25 = tpu.memref_slice %arg4[%add3A] : memref<320000xi32, #tpu.memory_space<hbm>> -> memref<80xi32, #tpu.memory_space<hbm>>
        tpu.wait_dma2 semaphore(%run_scoped3A : memref<!tpu.dma_semaphore, #tpu.memory_space<semaphore_mem>>) src(%dma_wait3A_25 : memref<80xi32, #tpu.memory_space<hbm>>) dst(%arg9 : memref<80xi32, #tpu.memory_space<vmem>>)
        tpu.yield
      }) : () -> ()
      %eq3A = arith.constant 0 : i32
      %eq3A_17 = arith.cmpi eq, %arg0, %eq3A : i32
      %convert_element_type3A = arith.extui %eq3A_17 : i1 to i32
      %cond3A = arith.constant 0 : i32
      %cond3A_18 = arith.cmpi ne, %convert_element_type3A, %cond3A : i32
      scf.if %cond3A_18 {
        %dma_start3A = arith.constant 0 : i32
        %dma_start3A_24 = arith.constant 0 : i32
        %dma_start3A_25 = tpu.memref_slice %arg2[%dma_start3A, %dma_start3A_24] : memref<10240x32xf32, #tpu.memory_space<hbm>> -> memref<10240x32xf32, #tpu.memory_space<hbm>>
        tpu.enqueue_indirect_dma source(%dma_start3A_25 : memref<10240x32xf32, #tpu.memory_space<hbm>>) target(%arg10 : memref<80x32xf32, #tpu.memory_space<vmem>>) offsets(%arg8 : memref<80xi32, #tpu.memory_space<vmem>>) semaphore(%arg12 : memref<!tpu.dma_semaphore, #tpu.memory_space<semaphore_mem>>)
        %dma_wait3A = arith.constant 0 : i32
        %dma_wait3A_26 = arith.constant 0 : i32
        %dma_wait3A_27 = tpu.memref_slice %arg2[%dma_wait3A, %dma_wait3A_26] : memref<10240x32xf32, #tpu.memory_space<hbm>> -> memref<10240x32xf32, #tpu.memory_space<hbm>>
        tpu.wait_indirect_dma semaphore(%arg12 : memref<!tpu.dma_semaphore, #tpu.memory_space<semaphore_mem>>) src(%dma_wait3A_27 : memref<10240x32xf32, #tpu.memory_space<hbm>>) dst(%arg10 : memref<80x32xf32, #tpu.memory_space<vmem>>)
      } else {
      }
      %eq3A_19 = arith.constant 1 : i32
      %eq3A_20 = arith.cmpi eq, %arg0, %eq3A_19 : i32
      %convert_element_type3A_21 = arith.extui %eq3A_20 : i1 to i32
      %cond3A_22 = arith.constant 0 : i32
      %cond3A_23 = arith.cmpi ne, %convert_element_type3A_21, %cond3A_22 : i32
      scf.if %cond3A_23 {
        %dma_start3A = arith.constant 0 : i32
        %dma_start3A_24 = arith.constant 0 : i32
        %dma_start3A_25 = tpu.memref_slice %arg3[%dma_start3A, %dma_start3A_24] : memref<10240x32xf32, #tpu.memory_space<hbm>> -> memref<10240x32xf32, #tpu.memory_space<hbm>>
        tpu.enqueue_indirect_dma source(%dma_start3A_25 : memref<10240x32xf32, #tpu.memory_space<hbm>>) target(%arg10 : memref<80x32xf32, #tpu.memory_space<vmem>>) offsets(%arg8 : memref<80xi32, #tpu.memory_space<vmem>>) semaphore(%arg12 : memref<!tpu.dma_semaphore, #tpu.memory_space<semaphore_mem>>)
        %dma_wait3A = arith.constant 0 : i32
        %dma_wait3A_26 = arith.constant 0 : i32
        %dma_wait3A_27 = tpu.memref_slice %arg3[%dma_wait3A, %dma_wait3A_26] : memref<10240x32xf32, #tpu.memory_space<hbm>> -> memref<10240x32xf32, #tpu.memory_space<hbm>>
        tpu.wait_indirect_dma semaphore(%arg12 : memref<!tpu.dma_semaphore, #tpu.memory_space<semaphore_mem>>) src(%dma_wait3A_27 : memref<10240x32xf32, #tpu.memory_space<hbm>>) dst(%arg10 : memref<80x32xf32, #tpu.memory_space<vmem>>)
      } else {
      }
      "tpu.region"() ({
        %run_scoped3A = tpu.sem_alloc : memref<!tpu.dma_semaphore, #tpu.memory_space<semaphore_mem>>
        %dma_start3A = arith.constant 0 : i32
        %dma_start3A_24 = arith.constant 0 : i32
        %dma_start3A_25 = tpu.memref_slice %arg11[%dma_start3A, %dma_start3A_24] : memref<10240x32xf32, #tpu.memory_space<vmem_shared>> -> memref<10240x32xf32, #tpu.memory_space<vmem_shared>>
        tpu.enqueue_indirect_dma source(%arg10 : memref<80x32xf32, #tpu.memory_space<vmem>>) target(%dma_start3A_25 : memref<10240x32xf32, #tpu.memory_space<vmem_shared>>) offsets(%arg9 : memref<80xi32, #tpu.memory_space<vmem>>) semaphore(%run_scoped3A : memref<!tpu.dma_semaphore, #tpu.memory_space<semaphore_mem>>) {add = true}
        %dma_wait3A = arith.constant 0 : i32
        %dma_wait3A_26 = arith.constant 0 : i32
        %dma_wait3A_27 = tpu.memref_slice %arg11[%dma_wait3A, %dma_wait3A_26] : memref<10240x32xf32, #tpu.memory_space<vmem_shared>> -> memref<10240x32xf32, #tpu.memory_space<vmem_shared>>
        tpu.wait_indirect_dma semaphore(%run_scoped3A : memref<!tpu.dma_semaphore, #tpu.memory_space<semaphore_mem>>) src(%arg10 : memref<80x32xf32, #tpu.memory_space<vmem>>) dst(%dma_wait3A_27 : memref<10240x32xf32, #tpu.memory_space<vmem_shared>>)
        tpu.yield
      }) : () -> ()
    }
    %scan3A_8 = arith.constant 250 : i32
    %barrier3A_9 = arith.constant 0 : index
    tpu.barrier barrier_id(%barrier3A_9)
    %mul3A_10 = arith.constant 640 : i32
    %mul3A_11 = arith.muli %arg1, %mul3A_10 : i32
    %mul3A_12 = arith.constant 640 : i32
    %mul3A_13 = arith.muli %arg1, %mul3A_12 : i32
    "tpu.region"() ({
      %run_scoped3A = tpu.sem_alloc : memref<!tpu.dma_semaphore, #tpu.memory_space<semaphore_mem>>
      %dma_start3A = arith.constant 0 : i32
      %dma_start3A_14 = tpu.memref_slice %arg7[%arg0, %mul3A_13, %dma_start3A] : memref<2x10240x32xf32, #tpu.memory_space<hbm>> -> memref<1x640x32xf32, #tpu.memory_space<hbm>>
      %dma_start3A_15 = tpu.memref_squeeze %dma_start3A_14 : memref<1x640x32xf32, #tpu.memory_space<hbm>> -> memref<640x32xf32, #tpu.memory_space<hbm>>
      %dma_start3A_16 = arith.constant 0 : i32
      %dma_start3A_17 = tpu.memref_slice %arg11[%mul3A_11, %dma_start3A_16] : memref<10240x32xf32, #tpu.memory_space<vmem_shared>> -> memref<640x32xf32, #tpu.memory_space<vmem_shared>>
      tpu.enqueue_dma source(%dma_start3A_17 : memref<640x32xf32, #tpu.memory_space<vmem_shared>>) target(%dma_start3A_15 : memref<640x32xf32, #tpu.memory_space<hbm>>) target_semaphore(%run_scoped3A : memref<!tpu.dma_semaphore, #tpu.memory_space<semaphore_mem>>)
      %dma_wait3A = arith.constant 0 : i32
      %dma_wait3A_18 = tpu.memref_slice %arg7[%arg0, %mul3A_13, %dma_wait3A] : memref<2x10240x32xf32, #tpu.memory_space<hbm>> -> memref<1x640x32xf32, #tpu.memory_space<hbm>>
      %dma_wait3A_19 = tpu.memref_squeeze %dma_wait3A_18 : memref<1x640x32xf32, #tpu.memory_space<hbm>> -> memref<640x32xf32, #tpu.memory_space<hbm>>
      %dma_wait3A_20 = arith.constant 0 : i32
      %dma_wait3A_21 = tpu.memref_slice %arg11[%mul3A_11, %dma_wait3A_20] : memref<10240x32xf32, #tpu.memory_space<vmem_shared>> -> memref<640x32xf32, #tpu.memory_space<vmem_shared>>
      tpu.wait_dma2 semaphore(%run_scoped3A : memref<!tpu.dma_semaphore, #tpu.memory_space<semaphore_mem>>) src(%dma_wait3A_21 : memref<640x32xf32, #tpu.memory_space<vmem_shared>>) dst(%dma_wait3A_19 : memref<640x32xf32, #tpu.memory_space<hbm>>)
      tpu.yield
    }) : () -> ()
    return
  }
}

module attributes {stable_mosaic.version = 14 : i64} {
  func.func @_prep_body(%arg0: memref<10240x1xi32, #tpu.memory_space<vmem>>, %arg1: memref<2x10240x1xf32, #tpu.memory_space<vmem>>, %arg2: memref<10240x64xf32, #tpu.memory_space<vmem>>, %arg3: memref<10240x1xf32, #tpu.memory_space<vmem>>, %arg4: memref<10240x32xf32, #tpu.memory_space<vmem>>, %arg5: memref<10240x32xf32, #tpu.memory_space<vmem>>) attributes {dimension_semantics = [], scalar_prefetch = 0 : i64, scratch_operands = 0 : i64, tpu.core_type = #tpu.core_type<tc>} {
    %get3A = arith.constant 0 : index
    %get3A_0 = arith.constant 0 : index
    %get3A_1 = vector.load %arg0[%get3A, %get3A_0] : memref<10240x1xi32, #tpu.memory_space<vmem>>, vector<10240x1xi32>
    %iota3A = tpu.iota {dimensions = array<i32: 1>} : vector<1x64xi32>
    %eq3A = vector.broadcast %get3A_1 : vector<10240x1xi32> to vector<10240x64xi32>
    %eq3A_2 = vector.broadcast %iota3A : vector<1x64xi32> to vector<10240x64xi32>
    %eq3A_3 = arith.cmpi eq, %eq3A, %eq3A_2 : vector<10240x64xi32>
    %jit3A = arith.constant 1.000000e+00 : f32
    %jit3A_4 = arith.constant 0.000000e+00 : f32
    %broadcast_in_dim3A = vector.broadcast %jit3A : f32 to vector<10240x64xf32>
    %broadcast_in_dim3A_5 = vector.broadcast %jit3A_4 : f32 to vector<10240x64xf32>
    %select_n3A = arith.select %eq3A_3, %broadcast_in_dim3A, %broadcast_in_dim3A_5 : vector<10240x64xi1>, vector<10240x64xf32>
    %reduce_sum3A = arith.constant dense<0.000000e+00> : vector<64xf32>
    %reduce_sum3A_6 = vector.multi_reduction <add>, %select_n3A, %reduce_sum3A [0] : vector<10240x64xf32> to vector<64xf32>
    %broadcast_in_dim3A_7 = vector.shape_cast %reduce_sum3A_6 : vector<64xf32> to vector<1x64xf32>
    %max3A = arith.constant 1.000000e+00 : f32
    %max3A_8 = vector.broadcast %max3A : f32 to vector<1x64xf32>
    %max3A_9 = arith.maximumf %broadcast_in_dim3A_7, %max3A_8 : vector<1x64xf32>
    %div3A = vector.broadcast %max3A_9 : vector<1x64xf32> to vector<10240x64xf32>
    %div3A_10 = arith.divf %select_n3A, %div3A : vector<10240x64xf32>
    %get3A_11 = arith.constant 0 : index
    %get3A_12 = arith.constant 0 : index
    %get3A_13 = arith.constant 0 : index
    %get3A_14 = vector.load %arg1[%get3A_11, %get3A_12, %get3A_13] : memref<2x10240x1xf32, #tpu.memory_space<vmem>>, vector<1x10240x1xf32>
    %get3A_15 = vector.shape_cast %get3A_14 : vector<1x10240x1xf32> to vector<10240x1xf32>
    %get3A_16 = arith.constant 1 : index
    %get3A_17 = arith.constant 0 : index
    %get3A_18 = arith.constant 0 : index
    %get3A_19 = vector.load %arg1[%get3A_16, %get3A_17, %get3A_18] : memref<2x10240x1xf32, #tpu.memory_space<vmem>>, vector<1x10240x1xf32>
    %get3A_20 = vector.shape_cast %get3A_19 : vector<1x10240x1xf32> to vector<10240x1xf32>
    %add3A = arith.addf %get3A_15, %get3A_20 : vector<10240x1xf32>
    %max3A_21 = arith.constant 1.000000e+00 : f32
    %max3A_22 = vector.broadcast %max3A_21 : f32 to vector<10240x1xf32>
    %max3A_23 = arith.maximumf %add3A, %max3A_22 : vector<10240x1xf32>
    %div3A_24 = arith.constant 1.000000e+00 : f32
    %div3A_25 = vector.broadcast %div3A_24 : f32 to vector<10240x1xf32>
    %div3A_26 = arith.divf %div3A_25, %max3A_23 : vector<10240x1xf32>
    %swap3A = arith.constant 0 : index
    %swap3A_27 = arith.constant 0 : index
    %swap3A_28 = vector.load %arg2[%swap3A, %swap3A_27] : memref<10240x64xf32, #tpu.memory_space<vmem>>, vector<10240x64xf32>
    tpu.vector_store %arg2[%swap3A, %swap3A_27], %div3A_10 {strides = array<i32>} : memref<10240x64xf32, #tpu.memory_space<vmem>>, vector<10240x64xf32>,
    %swap3A_29 = arith.constant 0 : index
    %swap3A_30 = arith.constant 0 : index
    %swap3A_31 = vector.load %arg3[%swap3A_29, %swap3A_30] : memref<10240x1xf32, #tpu.memory_space<vmem>>, vector<10240x1xf32>
    tpu.vector_store %arg3[%swap3A_29, %swap3A_30], %div3A_26 {strides = array<i32>} : memref<10240x1xf32, #tpu.memory_space<vmem>>, vector<10240x1xf32>,
    %mul3A = vector.broadcast %div3A_26 : vector<10240x1xf32> to vector<10240x64xf32>
    %mul3A_32 = arith.mulf %div3A_10, %mul3A : vector<10240x64xf32>
    %slice3A = vector.extract_strided_slice %mul3A_32 {offsets = [0, 0], sizes = [10240, 32], strides = [1, 1]} : vector<10240x64xf32> to vector<10240x32xf32>
    %swap3A_33 = arith.constant 0 : index
    %swap3A_34 = arith.constant 0 : index
    %swap3A_35 = vector.load %arg4[%swap3A_33, %swap3A_34] : memref<10240x32xf32, #tpu.memory_space<vmem>>, vector<10240x32xf32>
    tpu.vector_store %arg4[%swap3A_33, %swap3A_34], %slice3A {strides = array<i32>} : memref<10240x32xf32, #tpu.memory_space<vmem>>, vector<10240x32xf32>,
    %slice3A_36 = vector.extract_strided_slice %mul3A_32 {offsets = [0, 32], sizes = [10240, 32], strides = [1, 1]} : vector<10240x64xf32> to vector<10240x32xf32>
    %swap3A_37 = arith.constant 0 : index
    %swap3A_38 = arith.constant 0 : index
    %swap3A_39 = vector.load %arg5[%swap3A_37, %swap3A_38] : memref<10240x32xf32, #tpu.memory_space<vmem>>, vector<10240x32xf32>
    tpu.vector_store %arg5[%swap3A_37, %swap3A_38], %slice3A_36 {strides = array<i32>} : memref<10240x32xf32, #tpu.memory_space<vmem>>, vector<10240x32xf32>,
    return
  }
}

module attributes {stable_mosaic.version = 14 : i64} {
  func.func @_comb_body(%arg0: memref<2x10240x32xf32, #tpu.memory_space<vmem>>, %arg1: memref<10240x1xf32, #tpu.memory_space<vmem>>, %arg2: memref<10240x64xf32, #tpu.memory_space<vmem>>, %arg3: memref<10240x32xf32, #tpu.memory_space<vmem>>, %arg4: memref<10240x32xf32, #tpu.memory_space<vmem>>) attributes {dimension_semantics = [], scalar_prefetch = 0 : i64, scratch_operands = 0 : i64, tpu.core_type = #tpu.core_type<tc>} {
    %get3A = arith.constant 0 : index
    %get3A_0 = arith.constant 0 : index
    %get3A_1 = arith.constant 0 : index
    %get3A_2 = vector.load %arg0[%get3A, %get3A_0, %get3A_1] : memref<2x10240x32xf32, #tpu.memory_space<vmem>>, vector<1x10240x32xf32>
    %get3A_3 = vector.shape_cast %get3A_2 : vector<1x10240x32xf32> to vector<10240x32xf32>
    %get3A_4 = arith.constant 1 : index
    %get3A_5 = arith.constant 0 : index
    %get3A_6 = arith.constant 0 : index
    %get3A_7 = vector.load %arg0[%get3A_4, %get3A_5, %get3A_6] : memref<2x10240x32xf32, #tpu.memory_space<vmem>>, vector<1x10240x32xf32>
    %get3A_8 = vector.shape_cast %get3A_7 : vector<1x10240x32xf32> to vector<10240x32xf32>
    %get3A_9 = arith.constant 0 : index
    %get3A_10 = arith.constant 0 : index
    %get3A_11 = vector.load %arg1[%get3A_9, %get3A_10] : memref<10240x1xf32, #tpu.memory_space<vmem>>, vector<10240x1xf32>
    %swap3A = arith.constant 0 : index
    %swap3A_12 = arith.constant 0 : index
    %swap3A_13 = vector.load %arg2[%swap3A, %swap3A_12] : memref<10240x64xf32, #tpu.memory_space<vmem>>, vector<10240x32xf32>
    tpu.vector_store %arg2[%swap3A, %swap3A_12], %get3A_3 {strides = array<i32>} : memref<10240x64xf32, #tpu.memory_space<vmem>>, vector<10240x32xf32>,
    %swap3A_14 = arith.constant 0 : index
    %swap3A_15 = arith.constant 32 : index
    %swap3A_16 = vector.load %arg2[%swap3A_14, %swap3A_15] : memref<10240x64xf32, #tpu.memory_space<vmem>>, vector<10240x32xf32>
    tpu.vector_store %arg2[%swap3A_14, %swap3A_15], %get3A_8 {strides = array<i32>} : memref<10240x64xf32, #tpu.memory_space<vmem>>, vector<10240x32xf32>,
    %mul3A = vector.broadcast %get3A_11 : vector<10240x1xf32> to vector<10240x32xf32>
    %mul3A_17 = arith.mulf %get3A_3, %mul3A : vector<10240x32xf32>
    %swap3A_18 = arith.constant 0 : index
    %swap3A_19 = arith.constant 0 : index
    %swap3A_20 = vector.load %arg3[%swap3A_18, %swap3A_19] : memref<10240x32xf32, #tpu.memory_space<vmem>>, vector<10240x32xf32>
    tpu.vector_store %arg3[%swap3A_18, %swap3A_19], %mul3A_17 {strides = array<i32>} : memref<10240x32xf32, #tpu.memory_space<vmem>>, vector<10240x32xf32>,
    %mul3A_21 = vector.broadcast %get3A_11 : vector<10240x1xf32> to vector<10240x32xf32>
    %mul3A_22 = arith.mulf %get3A_8, %mul3A_21 : vector<10240x32xf32>
    %swap3A_23 = arith.constant 0 : index
    %swap3A_24 = arith.constant 0 : index
    %swap3A_25 = vector.load %arg4[%swap3A_23, %swap3A_24] : memref<10240x32xf32, #tpu.memory_space<vmem>>, vector<10240x32xf32>
    tpu.vector_store %arg4[%swap3A_23, %swap3A_24], %mul3A_22 {strides = array<i32>} : memref<10240x32xf32, #tpu.memory_space<vmem>>, vector<10240x32xf32>,
    return
  }
}

module attributes {stable_mosaic.version = 14 : i64} {
  func.func @_final_body(%arg0: memref<10240x128xf32, #tpu.memory_space<vmem>>, %arg1: memref<10240x64xf32, #tpu.memory_space<vmem>>, %arg2: memref<10240x64xf32, #tpu.memory_space<vmem>>, %arg3: memref<10240x64xf32, #tpu.memory_space<vmem>>, %arg4: memref<2x10240x32xf32, #tpu.memory_space<vmem>>, %arg5: memref<128x128xf32, #tpu.memory_space<vmem>>, %arg6: memref<128x128xf32, #tpu.memory_space<vmem>>, %arg7: memref<128x128xf32, #tpu.memory_space<vmem>>, %arg8: memref<128x128xf32, #tpu.memory_space<vmem>>, %arg9: memref<40x128xf32, #tpu.memory_space<vmem>>, %arg10: memref<40x128xf32, #tpu.memory_space<vmem>>, %arg11: memref<1x128xf32, #tpu.memory_space<vmem>>, %arg12: memref<1x128xf32, #tpu.memory_space<vmem>>, %arg13: memref<1x40xf32, #tpu.memory_space<vmem>>, %arg14: memref<64x40xf32, #tpu.memory_space<vmem>>) attributes {dimension_semantics = [], scalar_prefetch = 0 : i64, scratch_operands = 0 : i64, tpu.core_type = #tpu.core_type<tc>} {
    %get3A = arith.constant 0 : index
    %get3A_0 = arith.constant 0 : index
    %get3A_1 = vector.load %arg0[%get3A, %get3A_0] : memref<10240x128xf32, #tpu.memory_space<vmem>>, vector<10240x128xf32>
    %get3A_2 = arith.constant 0 : index
    %get3A_3 = arith.constant 0 : index
    %get3A_4 = arith.constant 0 : index
    %get3A_5 = vector.load %arg4[%get3A_2, %get3A_3, %get3A_4] : memref<2x10240x32xf32, #tpu.memory_space<vmem>>, vector<1x10240x32xf32>
    %get3A_6 = vector.shape_cast %get3A_5 : vector<1x10240x32xf32> to vector<10240x32xf32>
    %get3A_7 = arith.constant 1 : index
    %get3A_8 = arith.constant 0 : index
    %get3A_9 = arith.constant 0 : index
    %get3A_10 = vector.load %arg4[%get3A_7, %get3A_8, %get3A_9] : memref<2x10240x32xf32, #tpu.memory_space<vmem>>, vector<1x10240x32xf32>
    %get3A_11 = vector.shape_cast %get3A_10 : vector<1x10240x32xf32> to vector<10240x32xf32>
    %concatenate3A = tpu.concatenate %get3A_6, %get3A_11 in 1 : vector<10240x32xf32>, vector<10240x32xf32> -> vector<10240x64xf32>
    %get3A_12 = arith.constant 0 : index
    %get3A_13 = arith.constant 0 : index
    %get3A_14 = vector.load %arg1[%get3A_12, %get3A_13] : memref<10240x64xf32, #tpu.memory_space<vmem>>, vector<10240x64xf32>
    %get3A_15 = arith.constant 0 : index
    %get3A_16 = arith.constant 0 : index
    %get3A_17 = vector.load %arg2[%get3A_15, %get3A_16] : memref<10240x64xf32, #tpu.memory_space<vmem>>, vector<10240x64xf32>
    %get3A_18 = arith.constant 0 : index
    %get3A_19 = arith.constant 0 : index
    %get3A_20 = vector.load %arg3[%get3A_18, %get3A_19] : memref<10240x64xf32, #tpu.memory_space<vmem>>, vector<10240x64xf32>
    %broadcast_in_dim3A = arith.constant 1.000000e+00 : f32
    %broadcast_in_dim3A_21 = vector.broadcast %broadcast_in_dim3A : f32 to vector<10240x1xf32>
    %dot_general3A = arith.constant dense<0.000000e+00> : vector<64x128xf32>
    %dot_general3A_22 = tpu.matmul %get3A_14, %get3A_1, %dot_general3A {dimension_numbers = #tpu.dot_dimension_numbers<[0], [0], [1], [1], [0, 1, 1, 1], [], []>, transpose_lhs_hint = false} : vector<10240x64xf32>, vector<10240x128xf32>, vector<64x128xf32> -> vector<64x128xf32>
    %dot_general3A_23 = arith.constant dense<0.000000e+00> : vector<64x128xf32>
    %dot_general3A_24 = tpu.matmul %get3A_17, %get3A_1, %dot_general3A_23 {dimension_numbers = #tpu.dot_dimension_numbers<[0], [0], [1], [1], [0, 1, 1, 1], [], []>, transpose_lhs_hint = false} : vector<10240x64xf32>, vector<10240x128xf32>, vector<64x128xf32> -> vector<64x128xf32>
    %dot_general3A_25 = arith.constant dense<0.000000e+00> : vector<64x128xf32>
    %dot_general3A_26 = tpu.matmul %get3A_20, %get3A_1, %dot_general3A_25 {dimension_numbers = #tpu.dot_dimension_numbers<[0], [0], [1], [1], [0, 1, 1, 1], [], []>, transpose_lhs_hint = false} : vector<10240x64xf32>, vector<10240x128xf32>, vector<64x128xf32> -> vector<64x128xf32>
    %dot_general3A_27 = arith.constant dense<0.000000e+00> : vector<64x128xf32>
    %dot_general3A_28 = tpu.matmul %concatenate3A, %get3A_1, %dot_general3A_27 {dimension_numbers = #tpu.dot_dimension_numbers<[0], [0], [1], [1], [0, 1, 1, 1], [], []>, transpose_lhs_hint = false} : vector<10240x64xf32>, vector<10240x128xf32>, vector<64x128xf32> -> vector<64x128xf32>
    %dot_general3A_29 = arith.constant dense<0.000000e+00> : vector<64x1xf32>
    %dot_general3A_30 = tpu.matmul %get3A_14, %broadcast_in_dim3A_21, %dot_general3A_29 {dimension_numbers = #tpu.dot_dimension_numbers<[0], [0], [1], [1], [0, 1, 1, 1], [], []>, transpose_lhs_hint = false} : vector<10240x64xf32>, vector<10240x1xf32>, vector<64x1xf32> -> vector<64x1xf32>
    %dot_general3A_31 = arith.constant dense<0.000000e+00> : vector<64x1xf32>
    %dot_general3A_32 = tpu.matmul %get3A_17, %broadcast_in_dim3A_21, %dot_general3A_31 {dimension_numbers = #tpu.dot_dimension_numbers<[0], [0], [1], [1], [0, 1, 1, 1], [], []>, transpose_lhs_hint = false} : vector<10240x64xf32>, vector<10240x1xf32>, vector<64x1xf32> -> vector<64x1xf32>
    %dot_general3A_33 = arith.constant dense<0.000000e+00> : vector<64x1xf32>
    %dot_general3A_34 = tpu.matmul %get3A_20, %broadcast_in_dim3A_21, %dot_general3A_33 {dimension_numbers = #tpu.dot_dimension_numbers<[0], [0], [1], [1], [0, 1, 1, 1], [], []>, transpose_lhs_hint = false} : vector<10240x64xf32>, vector<10240x1xf32>, vector<64x1xf32> -> vector<64x1xf32>
    %get3A_35 = arith.constant 0 : index
    %get3A_36 = arith.constant 0 : index
    %get3A_37 = vector.load %arg5[%get3A_35, %get3A_36] : memref<128x128xf32, #tpu.memory_space<vmem>>, vector<128x128xf32>
    %get3A_38 = arith.constant 0 : index
    %get3A_39 = arith.constant 0 : index
    %get3A_40 = vector.load %arg6[%get3A_38, %get3A_39] : memref<128x128xf32, #tpu.memory_space<vmem>>, vector<128x128xf32>
    %get3A_41 = arith.constant 0 : index
    %get3A_42 = arith.constant 0 : index
    %get3A_43 = vector.load %arg7[%get3A_41, %get3A_42] : memref<128x128xf32, #tpu.memory_space<vmem>>, vector<128x128xf32>
    %get3A_44 = arith.constant 0 : index
    %get3A_45 = arith.constant 0 : index
    %get3A_46 = vector.load %arg8[%get3A_44, %get3A_45] : memref<128x128xf32, #tpu.memory_space<vmem>>, vector<128x128xf32>
    %get3A_47 = arith.constant 0 : index
    %get3A_48 = arith.constant 0 : index
    %get3A_49 = vector.load %arg9[%get3A_47, %get3A_48] : memref<40x128xf32, #tpu.memory_space<vmem>>, vector<40x128xf32>
    %get3A_50 = arith.constant 0 : index
    %get3A_51 = arith.constant 0 : index
    %get3A_52 = vector.load %arg10[%get3A_50, %get3A_51] : memref<40x128xf32, #tpu.memory_space<vmem>>, vector<40x128xf32>
    %get3A_53 = arith.constant 0 : index
    %get3A_54 = arith.constant 0 : index
    %get3A_55 = vector.load %arg11[%get3A_53, %get3A_54] : memref<1x128xf32, #tpu.memory_space<vmem>>, vector<1x128xf32>
    %get3A_56 = arith.constant 0 : index
    %get3A_57 = arith.constant 0 : index
    %get3A_58 = vector.load %arg12[%get3A_56, %get3A_57] : memref<1x128xf32, #tpu.memory_space<vmem>>, vector<1x128xf32>
    %get3A_59 = arith.constant 0 : index
    %get3A_60 = arith.constant 0 : index
    %get3A_61 = vector.load %arg13[%get3A_59, %get3A_60] : memref<1x40xf32, #tpu.memory_space<vmem>>, vector<1x40xf32>
    %dot_general3A_62 = arith.constant dense<0.000000e+00> : vector<40x128xf32>
    %dot_general3A_63 = tpu.matmul %get3A_49, %get3A_43, %dot_general3A_62 {dimension_numbers = #tpu.dot_dimension_numbers<[1], [0], [0], [1], [0, 0, 1, 1], [], []>, transpose_lhs_hint = false} : vector<40x128xf32>, vector<128x128xf32>, vector<40x128xf32> -> vector<40x128xf32>
    %dot_general3A_64 = arith.constant dense<0.000000e+00> : vector<40x128xf32>
    %dot_general3A_65 = tpu.matmul %get3A_49, %get3A_46, %dot_general3A_64 {dimension_numbers = #tpu.dot_dimension_numbers<[1], [0], [0], [1], [0, 0, 1, 1], [], []>, transpose_lhs_hint = false} : vector<40x128xf32>, vector<128x128xf32>, vector<40x128xf32> -> vector<40x128xf32>
    %dot_general3A_66 = arith.constant dense<0.000000e+00> : vector<40x128xf32>
    %dot_general3A_67 = tpu.matmul %get3A_52, %get3A_43, %dot_general3A_66 {dimension_numbers = #tpu.dot_dimension_numbers<[1], [0], [0], [1], [0, 0, 1, 1], [], []>, transpose_lhs_hint = false} : vector<40x128xf32>, vector<128x128xf32>, vector<40x128xf32> -> vector<40x128xf32>
    %dot_general3A_68 = arith.constant dense<0.000000e+00> : vector<40x128xf32>
    %dot_general3A_69 = tpu.matmul %get3A_52, %get3A_46, %dot_general3A_68 {dimension_numbers = #tpu.dot_dimension_numbers<[1], [0], [0], [1], [0, 0, 1, 1], [], []>, transpose_lhs_hint = false} : vector<40x128xf32>, vector<128x128xf32>, vector<40x128xf32> -> vector<40x128xf32>
    %dot_general3A_70 = arith.constant dense<0.000000e+00> : vector<40x128xf32>
    %dot_general3A_71 = tpu.matmul %dot_general3A_63, %get3A_37, %dot_general3A_70 {dimension_numbers = #tpu.dot_dimension_numbers<[1], [0], [0], [1], [0, 0, 1, 1], [], []>, transpose_lhs_hint = false} : vector<40x128xf32>, vector<128x128xf32>, vector<40x128xf32> -> vector<40x128xf32>
    %dot_general3A_72 = arith.constant dense<0.000000e+00> : vector<40x128xf32>
    %dot_general3A_73 = tpu.matmul %dot_general3A_63, %get3A_40, %dot_general3A_72 {dimension_numbers = #tpu.dot_dimension_numbers<[1], [0], [0], [1], [0, 0, 1, 1], [], []>, transpose_lhs_hint = false} : vector<40x128xf32>, vector<128x128xf32>, vector<40x128xf32> -> vector<40x128xf32>
    %dot_general3A_74 = arith.constant dense<0.000000e+00> : vector<40x128xf32>
    %dot_general3A_75 = tpu.matmul %dot_general3A_65, %get3A_37, %dot_general3A_74 {dimension_numbers = #tpu.dot_dimension_numbers<[1], [0], [0], [1], [0, 0, 1, 1], [], []>, transpose_lhs_hint = false} : vector<40x128xf32>, vector<128x128xf32>, vector<40x128xf32> -> vector<40x128xf32>
    %add3A = arith.addf %dot_general3A_73, %dot_general3A_75 : vector<40x128xf32>
    %dot_general3A_76 = arith.constant dense<0.000000e+00> : vector<40x128xf32>
    %dot_general3A_77 = tpu.matmul %dot_general3A_67, %get3A_37, %dot_general3A_76 {dimension_numbers = #tpu.dot_dimension_numbers<[1], [0], [0], [1], [0, 0, 1, 1], [], []>, transpose_lhs_hint = false} : vector<40x128xf32>, vector<128x128xf32>, vector<40x128xf32> -> vector<40x128xf32>
    %add3A_78 = arith.addf %add3A, %dot_general3A_77 : vector<40x128xf32>
    %dot_general3A_79 = arith.constant dense<0.000000e+00> : vector<40x128xf32>
    %dot_general3A_80 = tpu.matmul %dot_general3A_65, %get3A_40, %dot_general3A_79 {dimension_numbers = #tpu.dot_dimension_numbers<[1], [0], [0], [1], [0, 0, 1, 1], [], []>, transpose_lhs_hint = false} : vector<40x128xf32>, vector<128x128xf32>, vector<40x128xf32> -> vector<40x128xf32>
    %dot_general3A_81 = arith.constant dense<0.000000e+00> : vector<40x128xf32>
    %dot_general3A_82 = tpu.matmul %dot_general3A_67, %get3A_40, %dot_general3A_81 {dimension_numbers = #tpu.dot_dimension_numbers<[1], [0], [0], [1], [0, 0, 1, 1], [], []>, transpose_lhs_hint = false} : vector<40x128xf32>, vector<128x128xf32>, vector<40x128xf32> -> vector<40x128xf32>
    %add3A_83 = arith.addf %dot_general3A_80, %dot_general3A_82 : vector<40x128xf32>
    %dot_general3A_84 = arith.constant dense<0.000000e+00> : vector<40x128xf32>
    %dot_general3A_85 = tpu.matmul %dot_general3A_69, %get3A_37, %dot_general3A_84 {dimension_numbers = #tpu.dot_dimension_numbers<[1], [0], [0], [1], [0, 0, 1, 1], [], []>, transpose_lhs_hint = false} : vector<40x128xf32>, vector<128x128xf32>, vector<40x128xf32> -> vector<40x128xf32>
    %add3A_86 = arith.addf %add3A_83, %dot_general3A_85 : vector<40x128xf32>
    %dot_general3A_87 = arith.constant dense<0.000000e+00> : vector<40x128xf32>
    %dot_general3A_88 = tpu.matmul %dot_general3A_69, %get3A_40, %dot_general3A_87 {dimension_numbers = #tpu.dot_dimension_numbers<[1], [0], [0], [1], [0, 0, 1, 1], [], []>, transpose_lhs_hint = false} : vector<40x128xf32>, vector<128x128xf32>, vector<40x128xf32> -> vector<40x128xf32>
    %dot_general3A_89 = arith.constant dense<0.000000e+00> : vector<1x128xf32>
    %dot_general3A_90 = tpu.matmul %get3A_55, %get3A_43, %dot_general3A_89 {dimension_numbers = #tpu.dot_dimension_numbers<[1], [1], [0], [0], [0, 0, 1, 0], [], []>, transpose_lhs_hint = false} : vector<1x128xf32>, vector<128x128xf32>, vector<1x128xf32> -> vector<1x128xf32>
    %dot_general3A_91 = arith.constant dense<0.000000e+00> : vector<1x128xf32>
    %dot_general3A_92 = tpu.matmul %get3A_55, %get3A_46, %dot_general3A_91 {dimension_numbers = #tpu.dot_dimension_numbers<[1], [1], [0], [0], [0, 0, 1, 0], [], []>, transpose_lhs_hint = false} : vector<1x128xf32>, vector<128x128xf32>, vector<1x128xf32> -> vector<1x128xf32>
    %dot_general3A_93 = arith.constant dense<0.000000e+00> : vector<1x40xf32>
    %dot_general3A_94 = tpu.matmul %dot_general3A_90, %get3A_49, %dot_general3A_93 {dimension_numbers = #tpu.dot_dimension_numbers<[1], [1], [0], [0], [0, 0, 1, 0], [], []>, transpose_lhs_hint = false} : vector<1x128xf32>, vector<40x128xf32>, vector<1x40xf32> -> vector<1x40xf32>
    %dot_general3A_95 = arith.constant dense<0.000000e+00> : vector<1x40xf32>
    %dot_general3A_96 = tpu.matmul %dot_general3A_90, %get3A_52, %dot_general3A_95 {dimension_numbers = #tpu.dot_dimension_numbers<[1], [1], [0], [0], [0, 0, 1, 0], [], []>, transpose_lhs_hint = false} : vector<1x128xf32>, vector<40x128xf32>, vector<1x40xf32> -> vector<1x40xf32>
    %dot_general3A_97 = arith.constant dense<0.000000e+00> : vector<1x40xf32>
    %dot_general3A_98 = tpu.matmul %dot_general3A_92, %get3A_49, %dot_general3A_97 {dimension_numbers = #tpu.dot_dimension_numbers<[1], [1], [0], [0], [0, 0, 1, 0], [], []>, transpose_lhs_hint = false} : vector<1x128xf32>, vector<40x128xf32>, vector<1x40xf32> -> vector<1x40xf32>
    %add3A_99 = arith.addf %dot_general3A_96, %dot_general3A_98 : vector<1x40xf32>
    %dot_general3A_100 = arith.constant dense<0.000000e+00> : vector<1x40xf32>
    %dot_general3A_101 = tpu.matmul %get3A_58, %get3A_49, %dot_general3A_100 {dimension_numbers = #tpu.dot_dimension_numbers<[1], [1], [0], [0], [0, 0, 1, 0], [], []>, transpose_lhs_hint = false} : vector<1x128xf32>, vector<40x128xf32>, vector<1x40xf32> -> vector<1x40xf32>
    %add3A_102 = arith.addf %add3A_99, %dot_general3A_101 : vector<1x40xf32>
    %dot_general3A_103 = arith.constant dense<0.000000e+00> : vector<1x40xf32>
    %dot_general3A_104 = tpu.matmul %dot_general3A_92, %get3A_52, %dot_general3A_103 {dimension_numbers = #tpu.dot_dimension_numbers<[1], [1], [0], [0], [0, 0, 1, 0], [], []>, transpose_lhs_hint = false} : vector<1x128xf32>, vector<40x128xf32>, vector<1x40xf32> -> vector<1x40xf32>
    %dot_general3A_105 = arith.constant dense<0.000000e+00> : vector<1x40xf32>
    %dot_general3A_106 = tpu.matmul %get3A_58, %get3A_52, %dot_general3A_105 {dimension_numbers = #tpu.dot_dimension_numbers<[1], [1], [0], [0], [0, 0, 1, 0], [], []>, transpose_lhs_hint = false} : vector<1x128xf32>, vector<40x128xf32>, vector<1x40xf32> -> vector<1x40xf32>
    %add3A_107 = arith.addf %dot_general3A_104, %dot_general3A_106 : vector<1x40xf32>
    %add3A_108 = arith.addf %add3A_107, %get3A_61 : vector<1x40xf32>
    %dot_general3A_109 = arith.constant dense<0.000000e+00> : vector<64x40xf32>
    %dot_general3A_110 = tpu.matmul %dot_general3A_28, %dot_general3A_71, %dot_general3A_109 {dimension_numbers = #tpu.dot_dimension_numbers<[1], [1], [0], [0], [0, 0, 1, 0], [], []>, transpose_lhs_hint = false} : vector<64x128xf32>, vector<40x128xf32>, vector<64x40xf32> -> vector<64x40xf32>
    %dot_general3A_111 = arith.constant dense<0.000000e+00> : vector<64x40xf32>
    %dot_general3A_112 = tpu.matmul %dot_general3A_26, %add3A_78, %dot_general3A_111 {dimension_numbers = #tpu.dot_dimension_numbers<[1], [1], [0], [0], [0, 0, 1, 0], [], []>, transpose_lhs_hint = false} : vector<64x128xf32>, vector<40x128xf32>, vector<64x40xf32> -> vector<64x40xf32>
    %add3A_113 = arith.addf %dot_general3A_110, %dot_general3A_112 : vector<64x40xf32>
    %dot_general3A_114 = arith.constant dense<0.000000e+00> : vector<64x40xf32>
    %dot_general3A_115 = tpu.matmul %dot_general3A_24, %add3A_86, %dot_general3A_114 {dimension_numbers = #tpu.dot_dimension_numbers<[1], [1], [0], [0], [0, 0, 1, 0], [], []>, transpose_lhs_hint = false} : vector<64x128xf32>, vector<40x128xf32>, vector<64x40xf32> -> vector<64x40xf32>
    %add3A_116 = arith.addf %add3A_113, %dot_general3A_115 : vector<64x40xf32>
    %dot_general3A_117 = arith.constant dense<0.000000e+00> : vector<64x40xf32>
    %dot_general3A_118 = tpu.matmul %dot_general3A_22, %dot_general3A_88, %dot_general3A_117 {dimension_numbers = #tpu.dot_dimension_numbers<[1], [1], [0], [0], [0, 0, 1, 0], [], []>, transpose_lhs_hint = false} : vector<64x128xf32>, vector<40x128xf32>, vector<64x40xf32> -> vector<64x40xf32>
    %add3A_119 = arith.addf %add3A_116, %dot_general3A_118 : vector<64x40xf32>
    %mul3A = vector.broadcast %dot_general3A_34 : vector<64x1xf32> to vector<64x40xf32>
    %mul3A_120 = vector.broadcast %dot_general3A_94 : vector<1x40xf32> to vector<64x40xf32>
    %mul3A_121 = arith.mulf %mul3A, %mul3A_120 : vector<64x40xf32>
    %add3A_122 = arith.addf %add3A_119, %mul3A_121 : vector<64x40xf32>
    %mul3A_123 = vector.broadcast %dot_general3A_32 : vector<64x1xf32> to vector<64x40xf32>
    %mul3A_124 = vector.broadcast %add3A_102 : vector<1x40xf32> to vector<64x40xf32>
    %mul3A_125 = arith.mulf %mul3A_123, %mul3A_124 : vector<64x40xf32>
    %add3A_126 = arith.addf %add3A_122, %mul3A_125 : vector<64x40xf32>
    %mul3A_127 = vector.broadcast %dot_general3A_30 : vector<64x1xf32> to vector<64x40xf32>
    %mul3A_128 = vector.broadcast %add3A_108 : vector<1x40xf32> to vector<64x40xf32>
    %mul3A_129 = arith.mulf %mul3A_127, %mul3A_128 : vector<64x40xf32>
    %add3A_130 = arith.addf %add3A_126, %mul3A_129 : vector<64x40xf32>
    %reduce_max3A = arith.constant dense<0xFF800000> : vector<64xf32>
    %reduce_max3A_131 = vector.multi_reduction <maximumf>, %add3A_130, %reduce_max3A [1] : vector<64x40xf32> to vector<64xf32>
    %broadcast_in_dim3A_132 = vector.shape_cast %reduce_max3A_131 : vector<64xf32> to vector<64x1xf32>
    %sub3A = vector.broadcast %broadcast_in_dim3A_132 : vector<64x1xf32> to vector<64x40xf32>
    %sub3A_133 = arith.subf %add3A_130, %sub3A : vector<64x40xf32>
    %exp3A = math.exp %sub3A_133 : vector<64x40xf32>
    %reduce_sum3A = arith.constant dense<0.000000e+00> : vector<64xf32>
    %reduce_sum3A_134 = vector.multi_reduction <add>, %exp3A, %reduce_sum3A [1] : vector<64x40xf32> to vector<64xf32>
    %broadcast_in_dim3A_135 = vector.shape_cast %reduce_sum3A_134 : vector<64xf32> to vector<64x1xf32>
    %log3A = math.log %broadcast_in_dim3A_135 : vector<64x1xf32>
    %sub3A_136 = vector.broadcast %log3A : vector<64x1xf32> to vector<64x40xf32>
    %sub3A_137 = arith.subf %sub3A_133, %sub3A_136 : vector<64x40xf32>
    %swap3A = arith.constant 0 : index
    %swap3A_138 = arith.constant 0 : index
    %swap3A_139 = vector.load %arg14[%swap3A, %swap3A_138] : memref<64x40xf32, #tpu.memory_space<vmem>>, vector<64x40xf32>
    tpu.vector_store %arg14[%swap3A, %swap3A_138], %sub3A_137 {strides = array<i32>} : memref<64x40xf32, #tpu.memory_space<vmem>>, vector<64x40xf32>,
    return
  }
}

</mosaic_0001>

<sc_bundles>
// kernel: kernel.10.cloned.1.call-start
scs
__scs_entry_jumppad:
0x0: {  	(pc) =	sbr.rel $0x88, $3  }
0x1: {  	(tag) =	ssettag $0x0;
	lr =	simm.s32 $0x1  }
0x2: {  	[smem:$0x3F95] =	sst lr;
	_ =	strace $0xD0000000  }
0x3: {  	_ = 	snop  }
0x4: {  	_ = 	snop  }
0x5: {  	_ = 	snop  }
0x6: {  	_ = 	snop  }
0x7: {  	_ = 	snop  }
__scs_overlays_trampoline_lowered:
0x8: {  	[smem:$0x3FA4] =	sst s0  }
0x9: {  	[smem:$0x3FA5] =	sst s1  }
0xa: {  	[smem:$0x3FA6] =	sst s2  }
0xb: {  	[smem:$0x3FA7] =	sst s3  }
0xc: {  	[smem:$0x3FA8] =	sst s4  }
0xd: {  	[smem:$0x3FA9] =	sst s5  }
0xe: {  	[smem:$0x3FAA] =	sst s6  }
0xf: {  	[smem:$0x3FAB] =	sst s7  }
0x10: {  	[smem:$0x3FAC] =	sst s8  }
0x11: {  	[smem:$0x3FAD] =	sst s9;
	s0 =	simm.s32 @!p0 $0x0  }
0x12: {  	s1 =	sld [smem:$0x3F93];
	s0 =	simm.s32 @p0 $0x1  }
0x13: {  	[smem:$0x3FAE] =	sst s0;
	s0 =	simm.s32 @!p1 $0x0  }
0x14: {  	s2 =	sld [smem:$0x3F92];
	s0 =	simm.s32 @p1 $0x1  }
0x15: {  	[smem:$0x3FAF] =	sst s0;
	s0 =	simm.s32 @!p2 $0x0  }
0x16: {  	s3 =	sld [smem:$0x3FDB];
	s0 =	simm.s32 @p2 $0x1  }
0x17: {  	s4 =	simm.s32 $0x1BF5;
	[smem:$0x3FB1] =	sst s0  }
0x18: {  	s0 =	sld [smem:$0x3F94];
	_ =	swait.ge [sflag:s4], $0x0  }
0x19: {  	s7 =	sld [smem:$0x3F95]  }
0x1a: {  	s8 =	sadd.s32 $0xFFFFE003, lr  }
0x1b: {  	s9 =	sadd.s32 $0xFFFFFEF7, lr;
	s5 =	simm.s32 $0xFFFFFFFF;
	p2 =	slt.u32 s8, $0xFFFFF086  }
0x1c: {  	p1 =	slt.u32 s9, $0xF7A;
	s5 =	simm.s32 @!p2 $0x0  }
0x1d: {  	s5 =	simm.s32 @p1 $0x1;
	p0 =	seq.s32 s7, s2  }
0x1e: {  	s7 =	smul.u32 @!p0 $0xF7A, s2;
	p2 =	seq.s32 @!p0 s5, $0x0  }
0x1f: {  	s9 =	smul.u32 $0xF7A, s1;
	s8 =	simm.s32 @!p0 $0x1BF5;
	p2 =	por !p2, p0  }
0x20: {  	[sflag:s8] =	ssyncset.s32 @!p0 $0xFFFFF086;
	s6 =	sadd.s32 @!p0 s3, s7;
	s7 =	simm.s32 @!p0 $0x108  }
0x21: {  	s3 =	sadd.s32 s3, s9;
	s6 =	sadd.s32 @!p0 $0x88, s6;
	s7 =	simm.s32 @p2 $0x1082  }
0x22: {  	[simem:s7], [sflag:s8] =	dma.local @!p0 [hbm:s6], $0xF7A  }
0x23: {  	s9 =	sor.u32 $0xD0000000, s2;
	s6 =	simm.s32 $0x108;
	_ =	swait.ge @!p0 [sflag:s8], $0x0  }
0x24: {  	s3 =	sadd.s32 $0x88, s3;
	s6 =	simm.s32 @!p1 $0x1082;
	[sflag:s4] =	ssyncset.s32 $0xFFFFF086  }
0x25: {  	[simem:s6], [sflag:s4] =	dma.local [hbm:s3], $0xF7A  }
0x26: {  	[smem:$0x3F95] =	sst s1;
	(tag) =	ssettag s2;
	_ =	strace s9  }
0x27: {  	s1 =	sld [smem:$0x3FA5]  }
0x28: {  	s2 =	sld [smem:$0x3FA6]  }
0x29: {  	s4 =	sld [smem:$0x3FA8]  }
0x2a: {  	p0 =	seq.s32 s5, $0x0;
	s5 =	sld [smem:$0x3FA9]  }
0x2b: {  	s6 =	sld [smem:$0x3FAA]  }
0x2c: {  	s7 =	sld [smem:$0x3FAB]  }
0x2d: {  	s3 =	simm.s32 $0x108;
	s8 =	sld [smem:$0x3FAC]  }
0x2e: {  	s3 =	simm.s32 @!p0 $0x1082;
	s9 =	sld [smem:$0x3FAD]  }
0x2f: {  	lr =	sadd.s32 s0, s3;
	s0 =	sld [smem:$0x3FA4]  }
0x30: {  	s3 =	sld [smem:$0x3FA7]  }
0x31: {  	[smem:$0x3FB0] =	sst s10  }
0x32: {  	s10 =	sld [smem:$0x3FAE];
	_ =	sdelay $0x3  }
0x33: {  	p0 =	seq.s32 s10, $0x1;
	s10 =	sld [smem:$0x3FB0];
	_ =	sdelay $0x3  }
0x34: {  	[smem:$0x3FB0] =	sst s10  }
0x35: {  	s10 =	sld [smem:$0x3FAF];
	_ =	sdelay $0x3  }
0x36: {  	p1 =	seq.s32 s10, $0x1;
	s10 =	sld [smem:$0x3FB0];
	_ =	sdelay $0x3  }
0x37: {  	[smem:$0x3FB0] =	sst s10  }
0x38: {  	s10 =	sld [smem:$0x3FB1]  }
0x39: {  	_ = 	snop;
	(pc) =	sbr.ind lr, $3  }
0x3a: {  	_ = 	snop  }
0x3b: {  	_ = 	snop  }
0x3c: {  	p2 =	seq.s32 s10, $0x1;
	s10 =	sld [smem:$0x3FB0]  }
0x3d: {  	_ =	shalt  }
0x3e: {  	_ =	shalt  }
0x3f: {  	_ =	shalt  }
0x40: {  	_ =	shalt  }
0x41: {  	_ =	shalt  }
0x42: {  	_ =	shalt  }
0x43: {  	_ =	shalt  }
0x44: {  	_ =	shalt  }
0x45: {  	_ =	shalt  }
0x46: {  	_ =	shalt  }
0x47: {  	_ =	shalt  }
0x48: {  	_ =	shalt  }
0x49: {  	_ =	shalt  }
0x4a: {  	_ =	shalt  }
0x4b: {  	_ =	shalt  }
0x4c: {  	_ =	shalt  }
0x4d: {  	_ =	shalt  }
0x4e: {  	_ =	shalt  }
0x4f: {  	_ =	shalt  }
0x50: {  	_ =	shalt  }
0x51: {  	_ =	shalt  }
0x52: {  	_ =	shalt  }
0x53: {  	_ =	shalt  }
0x54: {  	_ =	shalt  }
0x55: {  	_ =	shalt  }
0x56: {  	_ =	shalt  }
0x57: {  	_ =	shalt  }
0x58: {  	_ =	shalt  }
0x59: {  	_ =	shalt  }
0x5a: {  	_ =	shalt  }
0x5b: {  	_ =	shalt  }
0x5c: {  	_ =	shalt  }
0x5d: {  	_ =	shalt  }
0x5e: {  	_ =	shalt  }
0x5f: {  	_ =	shalt  }
0x60: {  	_ =	shalt  }
0x61: {  	_ =	shalt  }
0x62: {  	_ =	shalt  }
0x63: {  	_ =	shalt  }
0x64: {  	_ =	shalt  }
0x65: {  	_ =	shalt  }
0x66: {  	_ =	shalt  }
0x67: {  	_ =	shalt  }
0x68: {  	_ =	shalt  }
0x69: {  	_ =	shalt  }
0x6a: {  	_ =	shalt  }
0x6b: {  	_ =	shalt  }
0x6c: {  	_ =	shalt  }
0x6d: {  	_ =	shalt  }
0x6e: {  	_ =	shalt  }
0x6f: {  	_ =	shalt  }
0x70: {  	_ =	shalt  }
0x71: {  	_ =	shalt  }
0x72: {  	_ =	shalt  }
0x73: {  	_ =	shalt  }
0x74: {  	_ =	shalt  }
0x75: {  	_ =	shalt  }
0x76: {  	_ =	shalt  }
0x77: {  	_ =	shalt  }
0x78: {  	_ =	shalt  }
0x79: {  	_ =	shalt  }
0x7a: {  	_ =	shalt  }
0x7b: {  	_ =	shalt  }
0x7c: {  	_ =	shalt  }
0x7d: {  	_ =	shalt  }
0x7e: {  	_ =	shalt  }
0x7f: {  	_ =	shalt  }
0x80: {  	_ =	shalt  }
0x81: {  	_ =	shalt  }
0x82: {  	_ =	shalt  }
0x83: {  	_ =	shalt  }
0x84: {  	_ =	shalt  }
0x85: {  	_ =	shalt  }
0x86: {  	_ =	shalt  }
0x87: {  	_ =	shalt  }
.Lfunc_end0:
.L_simem_size_0:
called_computation_lowered:
.L_overlay_start_0:
0x88: {  	s2 =	sld [smem:$0x3FD9]  }
0x89: {  	s3 =	sld [smem:$0x3FFE];
	_ =	sdelay $0x1  }
0x8a: {  	s1 =	srdreg.scid  }
0x8b: {  	s0 =	sand.u32 $0x1, s1  }
0x8c: {  	s16 =	sshll.u32 s0, $0xA;
	s2 =	sadd.s32 s3, s2  }
0x8d: {  	s2 =	sadd.s32 s2, s16  }
0x8e: {  	[smem:$0x3FBC] =	sst s2  }
0x8f: {  	_ = 	snop  }
0x90: {  	(tm) =	ssettm $0x1  }
0x91: {  	s17 =	sld [smem:$0x3FFB];
	_ =	sdelay $0x3  }
0x92: {  	_ =	strace s17  }
0x93: {  	s2 =	sld [smem:$0x3FFC];
	_ =	sdelay $0x3  }
0x94: {  	_ =	strace s2  }
0x95: {  	s2 =	sld [smem:$0x3FFD];
	_ =	sdelay $0x3  }
0x96: {  	_ =	strace s2  }
0x97: {  	_ =	strace $0x8FFFFFFF  }
0x98: {  	s18 =	sld [smem:$0x3FDB];
	_ =	sdelay $0x1  }
0x99: {  	s19 =	simm.s32 $_scs_section_size  }
0x9a: {  	s4 =	simm.s32 $_size__tile_overlayer_lowered;
	s5 =	simm.s32 $_tile_overlayer_lowered  }
0x9b: {  	s22 =	simm.s32 $0x1BFF;
	s21 =	sshll.u32 s5, $0x1;
	s2 =	sadd.s32 s19, s18  }
0x9c: {  	s6 =	simm.s32 $0x0;
	s20 =	sshll.u32 s4, $0x1;
	s4 =	sadd.s32 s21, s2  }
0x9d: {  	[timem:s6], [sflag:s22] =	dma.local [hbm:s4], s20  }
0x9e: {  	_ =	swait.ge [sflag:s22], s20  }
0x9f: {  	s3 =	ssub.s32 $0x0, s20;
	[sflag:s22] =	ssyncset.done $0x0  }
0xa0: {  	[sflag:s22] =	ssyncadd.s32 s3;
	_ =	sdelay $0x1  }
0xa1: {  	s23 =	simm.s32 $0x1B8B  }
0xa2: {  	_ =	swait.ge [sflag:s23], $0x1  }
0xa3: {  	[sflag:s23] =	ssyncset.done $0x0  }
0xa4: {  	s25 =	simm.s32 $0x1B8E;
	s24 =	sld [smem:$0x3FFE];
	[sflag:s23] =	ssyncadd.s32 $0xFFFFFFFF  }
0xa5: {  	s26 =	simm.s32 $execute0_lowered;
	[smem:$0x3FD2] =	sst s25  }
0xa6: {  	s4 =	sshll.u32 s26, $0x1;
	_ =	strace $0x80000046;
	[dreg:$0x1] =	wrdreg $0xFFFFFFFF  }
0xa7: {  	s28 =	simm.s32 $_size_execute0_lowered;
	s2 =	sadd.s32 s2, s4;
	[dreg:$0x0] =	wrdreg $0x0  }
0xa8: {  	s4 =	sshll.u32 s28, $0x1;
	[dreg:$0x2] =	wrdreg s2  }
0xa9: {  	[dreg:$0x3] =	wrdreg s4  }
0xaa: {  	[dreg:$0x4] =	wrdreg $0xC0  }
0xab: {  	_ =	task [dreg:s6], $0x5FFFF  }
0xac: {  	[dreg:$0x1] =	wrdreg $0xFFFFFFFF  }
0xad: {  	[dreg:$0x0] =	wrdreg $0x60  }
0xae: {  	[dreg:$0x2] =	wrdreg s24  }
0xaf: {  	[dreg:$0x3] =	wrdreg $0xA00  }
0xb0: {  	[dreg:$0x4] =	wrdreg $0x9  }
0xb1: {  	_ =	task.clear_ibuf [dreg:s6], $0x5FFFF;
	_ =	strace $0x90000046  }
0xb2: {  	s29 =	simm.s32 $0x9;
	_ =	strace $0x80000048  }
0xb3: {  	_ =	swait.ge [sflag:s29], $0x1  }
0xb4: {  	[sflag:s29] =	ssyncadd.s32 $0xFFFFFFFF  }
0xb5: {  	_ =	strace $0x90000048  }
0xb6: {  	_ =	sfence  }
0xb7: {  	s30 =	sld [smem:$0x0];
	_ =	sdelay $0x2  }
0xb8: {  	s31 =	sshll.u32 s1, $0xD;
	s1 =	sshrl.u32 s1, $0x2  }
0xb9: {  	s3 =	sand.u32 $0x4000, s31;
	s1 =	sadd.s32 s1, s30  }
0xba: {  	s0 =	sor.u32 s3, s0;
	s1 =	sshll.u32 s1, $0x11  }
0xbb: {  	s0 =	sor.u32 s1, s0  }
0xbc: {  	s0 =	sadd.s32 $0x8F2B, s0  }
0xbd: {  	[sflag:s0] =	ssyncadd.remote.s32 $0x1  }
0xbe: {  	_ =	sfence.sel $0xFFFF  }
0xbf: {  	[dreg:$0x0] =	wrdreg $0xFFFFFFFF;
	(pc) =	sbr.abs _section_cstart, $3  }
0xc0: {  	[dreg:$0x1] =	wrdreg $0xFFFFFFFF  }
0xc1: {  	_ =	task.clear_ibuf [dreg:s6], $0x2FFFF;
	_ =	strace $0x9FFFFFFF  }
0xc2: {  	(tm) =	ssettm $0x7FFFFFFF  }
0xc3: {  	_ =	shalt  }
tec
execute0_lowered:
.L_overlay_start_1:
0x0: {  	(tag) =	ssettag $0x1  }
0x1: {  	s0 =	srdreg.scid;
	s4 =	rddreg [dreg:$0x0]  }
0x2: {  	s2 =	rddreg [dreg:$0x1];
	s5 =	sand.u32 $0x1, s0  }
0x3: {  	s0 =	stileid.u32;
	s6 =	smul.u32 $0x27100, s5  }
0x4: {  	s1 =	rddreg [dreg:$0x2];
	s7 =	smul.u32 $0x2710, s0  }
0x5: {  	s3 =	simm.s32 $0x0;
	s12 =	simm.s32 $0x0;
	s8 =	smul.u32 $0x280, s0  }
0x6: {  	[smem:$0x7FF] =	sst s3;
	s26 =	smul.u32 $0x2800, s5;
	s5 =	ssub.s32 $0x2, s5  }
0x7: {  	_ =	strace $0x80000047;
	s31 =	sshll.u32 s0, $0x6;
	s30 =	sshrl.u32 s5, $0x1  }
0x8: {  	s6 =	sadd.s32 s7, s6;
	s28 =	sadd.s32 s8, s26;
	s29 =	sshrl.u32 s8, $0x3  }
0x9: {  	s10 =	ssub.s32 s5, s30;
	s11 =	sadd.s32 s8, s2;
	s6 =	sshrl.u32 s6, $0x3  }
0xa: {  	s7 =	sadd.s32 s29, s4;
	s9 =	sadd.s32 s6, s4;
	s6 =	sshrl.u32 s28, $0x3  }
0xb: {  	s5 =	sor.u32 $0x1C01, s31;
	s6 =	sadd.s32 s6, s4;
	s4 =	sadd.s32 $0x16600, s7  }
0xc: {  	s7 =	smax.u32 s10, $0x1;
	s8 =	sadd.s32 $0xC800, s9;
	s9 =	sshrl.u32 s11, $0x3  }
0xd: {  	v0 =	vimm.f32 $1.000000000e+00;
	s10 =	simm.s32 $0x1;
	s11 =	simm.s32 $0x50;
	s6 =	sadd.s32 $0x16C00, s6  }
.LBB2_1:
0xe: {  	[tilespmem:$0x50] =	vst v0  }
0xf: {  	[tilespmem:$0x60] =	vst v0  }
0x10: {  	[tilespmem:$0x70] =	vst v0  }
0x11: {  	[tilespmem:$0x80] =	vst v0  }
0x12: {  	[tilespmem:$0x90] =	vst v0  }
0x13: {  	[spmem:s9], [sflag:s5] =	dma.local [hbm:s4], $0x50  }
0x14: {  	_ =	swait.ge [sflag:s10], $0x50  }
0x15: {  	[sflag:s10] =	ssyncset.done $0x0  }
0x16: {  	[sflag:s10] =	ssyncadd.s32 $0xFFFFFFB0  }
0x17: {  	s13 =	sadd.s32 $0x0, s8;
	[bflag:$0x0] =	sbarrier.arrive $0xFFFF  }
0x18: {  	[tilespmem:s3], [sflag:$0x1] =	stream.linear.gather [hbm4b:s13+s3], $0x50, $0x38;
	[tilespmem:$0x320] =	vst v63  }
0x19: {  	_ =	swait.ge [sflag:s10], $0x50  }
0x1a: {  	[sflag:s10] =	ssyncset.done $0x0  }
0x1b: {  	[sflag:s10] =	ssyncadd.s32 $0xFFFFFFB0  }
0x1c: {  	[spmem:s2] =	stream.indirect.scatter.add.f32 [tilespmem:s11], [sflag:$0x1], $0x1, s3, s11, $0xb8;
	[tilespmem:$0x320] =	vst v63  }
0x1d: {  	_ =	swait.ge [sflag:s10], $0x50  }
0x1e: {  	s14 =	simm.s32 $0x14;
	s13 =	simm.s32 $0xA;
	[sflag:s10] =	ssyncset.done $0x0  }
.LBB2_2:
0x1f: {  	s15 =	sadd.s32 s13, s8  }
0x20: {  	[sflag:s10] =	ssyncadd.s32 $0xFFFFFFB0;
	s13 =	smov.u32 s14;
	s16 =	sadd.s32 $0xA, s14  }
0x21: {  	[tilespmem:s3], [sflag:$0x1] =	stream.linear.gather [hbm4b:s15+s3], $0x50, $0x38;
	[tilespmem:$0x320] =	vst v63  }
0x22: {  	p0 =	sne.s32 s14, $0x4D8;
	_ =	swait.ge [sflag:s10], $0x50  }
.Ltmp0:
0x23: {  	[sflag:s10] =	ssyncset.done $0x0;
	(pc) =	sbr.rel @p0 .LBB2_2-.Ltmp0, $4  }
0x24: {  	[sflag:s10] =	ssyncadd.s32 $0xFFFFFFB0  }
0x25: {  	[spmem:s2] =	stream.indirect.scatter.add.f32 [tilespmem:s11], [sflag:$0x1], $0x1, s3, s11, $0xb8;
	[tilespmem:$0x320] =	vst v63  }
0x26: {  	_ =	swait.ge [sflag:s10], $0x50  }
0x27: {  	s14 =	smov.u32 s16;
	[sflag:s10] =	ssyncset.done $0x0  }
0x28: {  	s13 =	sadd.s32 s13, s8;
	[sflag:s10] =	ssyncadd.s32 $0xFFFFFFB0  }
0x29: {  	[tilespmem:s3], [sflag:$0x1] =	stream.linear.gather [hbm4b:s13+s3], $0x50, $0x38;
	[tilespmem:$0x320] =	vst v63  }
0x2a: {  	_ =	swait.ge [sflag:s10], $0x50  }
0x2b: {  	[sflag:s10] =	ssyncset.done $0x0  }
0x2c: {  	[sflag:s10] =	ssyncadd.s32 $0xFFFFFFB0  }
0x2d: {  	[spmem:s2] =	stream.indirect.scatter.add.f32 [tilespmem:s11], [sflag:$0x1], $0x1, s3, s11, $0xb8;
	[tilespmem:$0x320] =	vst v63  }
0x2e: {  	_ =	swait.ge [sflag:s10], $0x50  }
0x2f: {  	s12 =	sadd.s32 $0x1, s12;
	[sflag:s10] =	ssyncset.done $0x0  }
0x30: {  	p0 =	sne.s32 s12, s7;
	[sflag:s10] =	ssyncadd.s32 $0xFFFFFFB0  }
.Ltmp1:
0x31: {  	[bflag:$0x0] =	sbarrier.arrive $0xFFFF;
	(pc) =	sbr.rel @p0 .LBB2_1-.Ltmp1, $4  }
0x32: {  	[hbm:s6], [sflag:s5] =	dma.local [spmem:s9], $0x50  }
0x33: {  	_ =	swait.ge [sflag:s10], $0x50  }
0x34: {  	[sflag:s10] =	ssyncset.done $0x0  }
0x35: {  	[sflag:s10] =	ssyncadd.s32 $0xFFFFFFB0  }
0x36: {  	_ =	sfence.sel $0x180000  }
0x37: {  	[bflag:$0x0] =	sbarrier.arrive $0xFFFF  }
0x38: {  	p0 =	sne.s32 s0, $0x0;
	_ =	strace $0x90000047  }
0x39: {  	s0 =	sadd.s32 @!p0 $0x100000, s1;
	[bflag:$0x2] =	sbarrier.arrive $0xFFFF  }
0x3a: {  	[sflag:s0] =	ssyncadd.tile.s32 @!p0 $0x1;
	_ =	shalt  }
.Lfunc_end2:
_tile_overlayer_lowered:
.L_overlay_start_2:
0x3b: {  	(tag) =	ssettag $0x2  }
0x3c: {  	s0 =	rddreg [dreg:$0x0];
	s2 =	stileid.u32  }
0x3d: {  	s1 =	rddreg [dreg:$0x1];
	p0 =	sne.s32 s2, $0x0  }
0x3e: {  	s3 =	rddreg [dreg:$0x2];
	[bflag:$0x3] =	sbarrier.arrive $0xFFFF;
	s2 =	simm.s32 @!p0 $0x1C01  }
0x3f: {  	[timem:s3], [sflag:s2] =	dma.local @!p0 [hbm:s0], s1  }
0x40: {  	s0 =	simm.s32 @!p0 $0x1  }
0x41: {  	_ =	swait.ge @!p0 [sflag:s0], s1  }
0x42: {  	s1 =	ssub.s32 @!p0 $0x0, s1;
	[sflag:s0] =	ssyncset.done @!p0 $0x0  }
0x43: {  	[sflag:s0] =	ssyncadd.s32 @!p0 s1  }
0x44: {  	[bflag:$0x3] =	sbarrier.arrive $0xFFFF  }
0x45: {  	_ =	shalt  }

// kernel: kernel.13.cloned.1.call-start
scs
__scs_entry_jumppad:
0x0: {  	(pc) =	sbr.rel $0x88, $3  }
0x1: {  	(tag) =	ssettag $0x0;
	lr =	simm.s32 $0x1  }
0x2: {  	[smem:$0x3F95] =	sst lr;
	_ =	strace $0xD0000000  }
0x3: {  	_ = 	snop  }
0x4: {  	_ = 	snop  }
0x5: {  	_ = 	snop  }
0x6: {  	_ = 	snop  }
0x7: {  	_ = 	snop  }
__scs_overlays_trampoline_lowered:
0x8: {  	[smem:$0x3FA4] =	sst s0  }
0x9: {  	[smem:$0x3FA5] =	sst s1  }
0xa: {  	[smem:$0x3FA6] =	sst s2  }
0xb: {  	[smem:$0x3FA7] =	sst s3  }
0xc: {  	[smem:$0x3FA8] =	sst s4  }
0xd: {  	[smem:$0x3FA9] =	sst s5  }
0xe: {  	[smem:$0x3FAA] =	sst s6  }
0xf: {  	[smem:$0x3FAB] =	sst s7  }
0x10: {  	[smem:$0x3FAC] =	sst s8  }
0x11: {  	[smem:$0x3FAD] =	sst s9;
	s0 =	simm.s32 @!p0 $0x0  }
0x12: {  	s1 =	sld [smem:$0x3F93];
	s0 =	simm.s32 @p0 $0x1  }
0x13: {  	[smem:$0x3FAE] =	sst s0;
	s0 =	simm.s32 @!p1 $0x0  }
0x14: {  	s2 =	sld [smem:$0x3F92];
	s0 =	simm.s32 @p1 $0x1  }
0x15: {  	[smem:$0x3FAF] =	sst s0;
	s0 =	simm.s32 @!p2 $0x0  }
0x16: {  	s3 =	sld [smem:$0x3FDB];
	s0 =	simm.s32 @p2 $0x1  }
0x17: {  	s4 =	simm.s32 $0x1BF5;
	[smem:$0x3FB1] =	sst s0  }
0x18: {  	s0 =	sld [smem:$0x3F94];
	_ =	swait.ge [sflag:s4], $0x0  }
0x19: {  	s7 =	sld [smem:$0x3F95]  }
0x1a: {  	s8 =	sadd.s32 $0xFFFFE003, lr  }
0x1b: {  	s9 =	sadd.s32 $0xFFFFFEF7, lr;
	s5 =	simm.s32 $0xFFFFFFFF;
	p2 =	slt.u32 s8, $0xFFFFF086  }
0x1c: {  	p1 =	slt.u32 s9, $0xF7A;
	s5 =	simm.s32 @!p2 $0x0  }
0x1d: {  	s5 =	simm.s32 @p1 $0x1;
	p0 =	seq.s32 s7, s2  }
0x1e: {  	s7 =	smul.u32 @!p0 $0xF7A, s2;
	p2 =	seq.s32 @!p0 s5, $0x0  }
0x1f: {  	s9 =	smul.u32 $0xF7A, s1;
	s8 =	simm.s32 @!p0 $0x1BF5;
	p2 =	por !p2, p0  }
0x20: {  	[sflag:s8] =	ssyncset.s32 @!p0 $0xFFFFF086;
	s6 =	sadd.s32 @!p0 s3, s7;
	s7 =	simm.s32 @!p0 $0x108  }
0x21: {  	s3 =	sadd.s32 s3, s9;
	s6 =	sadd.s32 @!p0 $0x88, s6;
	s7 =	simm.s32 @p2 $0x1082  }
0x22: {  	[simem:s7], [sflag:s8] =	dma.local @!p0 [hbm:s6], $0xF7A  }
0x23: {  	s9 =	sor.u32 $0xD0000000, s2;
	s6 =	simm.s32 $0x108;
	_ =	swait.ge @!p0 [sflag:s8], $0x0  }
0x24: {  	s3 =	sadd.s32 $0x88, s3;
	s6 =	simm.s32 @!p1 $0x1082;
	[sflag:s4] =	ssyncset.s32 $0xFFFFF086  }
0x25: {  	[simem:s6], [sflag:s4] =	dma.local [hbm:s3], $0xF7A  }
0x26: {  	[smem:$0x3F95] =	sst s1;
	(tag) =	ssettag s2;
	_ =	strace s9  }
0x27: {  	s1 =	sld [smem:$0x3FA5]  }
0x28: {  	s2 =	sld [smem:$0x3FA6]  }
0x29: {  	s4 =	sld [smem:$0x3FA8]  }
0x2a: {  	p0 =	seq.s32 s5, $0x0;
	s5 =	sld [smem:$0x3FA9]  }
0x2b: {  	s6 =	sld [smem:$0x3FAA]  }
0x2c: {  	s7 =	sld [smem:$0x3FAB]  }
0x2d: {  	s3 =	simm.s32 $0x108;
	s8 =	sld [smem:$0x3FAC]  }
0x2e: {  	s3 =	simm.s32 @!p0 $0x1082;
	s9 =	sld [smem:$0x3FAD]  }
0x2f: {  	lr =	sadd.s32 s0, s3;
	s0 =	sld [smem:$0x3FA4]  }
0x30: {  	s3 =	sld [smem:$0x3FA7]  }
0x31: {  	[smem:$0x3FB0] =	sst s10  }
0x32: {  	s10 =	sld [smem:$0x3FAE];
	_ =	sdelay $0x3  }
0x33: {  	p0 =	seq.s32 s10, $0x1;
	s10 =	sld [smem:$0x3FB0];
	_ =	sdelay $0x3  }
0x34: {  	[smem:$0x3FB0] =	sst s10  }
0x35: {  	s10 =	sld [smem:$0x3FAF];
	_ =	sdelay $0x3  }
0x36: {  	p1 =	seq.s32 s10, $0x1;
	s10 =	sld [smem:$0x3FB0];
	_ =	sdelay $0x3  }
0x37: {  	[smem:$0x3FB0] =	sst s10  }
0x38: {  	s10 =	sld [smem:$0x3FB1]  }
0x39: {  	_ = 	snop;
	(pc) =	sbr.ind lr, $3  }
0x3a: {  	_ = 	snop  }
0x3b: {  	_ = 	snop  }
0x3c: {  	p2 =	seq.s32 s10, $0x1;
	s10 =	sld [smem:$0x3FB0]  }
0x3d: {  	_ =	shalt  }
0x3e: {  	_ =	shalt  }
0x3f: {  	_ =	shalt  }
0x40: {  	_ =	shalt  }
0x41: {  	_ =	shalt  }
0x42: {  	_ =	shalt  }
0x43: {  	_ =	shalt  }
0x44: {  	_ =	shalt  }
0x45: {  	_ =	shalt  }
0x46: {  	_ =	shalt  }
0x47: {  	_ =	shalt  }
0x48: {  	_ =	shalt  }
0x49: {  	_ =	shalt  }
0x4a: {  	_ =	shalt  }
0x4b: {  	_ =	shalt  }
0x4c: {  	_ =	shalt  }
0x4d: {  	_ =	shalt  }
0x4e: {  	_ =	shalt  }
0x4f: {  	_ =	shalt  }
0x50: {  	_ =	shalt  }
0x51: {  	_ =	shalt  }
0x52: {  	_ =	shalt  }
0x53: {  	_ =	shalt  }
0x54: {  	_ =	shalt  }
0x55: {  	_ =	shalt  }
0x56: {  	_ =	shalt  }
0x57: {  	_ =	shalt  }
0x58: {  	_ =	shalt  }
0x59: {  	_ =	shalt  }
0x5a: {  	_ =	shalt  }
0x5b: {  	_ =	shalt  }
0x5c: {  	_ =	shalt  }
0x5d: {  	_ =	shalt  }
0x5e: {  	_ =	shalt  }
0x5f: {  	_ =	shalt  }
0x60: {  	_ =	shalt  }
0x61: {  	_ =	shalt  }
0x62: {  	_ =	shalt  }
0x63: {  	_ =	shalt  }
0x64: {  	_ =	shalt  }
0x65: {  	_ =	shalt  }
0x66: {  	_ =	shalt  }
0x67: {  	_ =	shalt  }
0x68: {  	_ =	shalt  }
0x69: {  	_ =	shalt  }
0x6a: {  	_ =	shalt  }
0x6b: {  	_ =	shalt  }
0x6c: {  	_ =	shalt  }
0x6d: {  	_ =	shalt  }
0x6e: {  	_ =	shalt  }
0x6f: {  	_ =	shalt  }
0x70: {  	_ =	shalt  }
0x71: {  	_ =	shalt  }
0x72: {  	_ =	shalt  }
0x73: {  	_ =	shalt  }
0x74: {  	_ =	shalt  }
0x75: {  	_ =	shalt  }
0x76: {  	_ =	shalt  }
0x77: {  	_ =	shalt  }
0x78: {  	_ =	shalt  }
0x79: {  	_ =	shalt  }
0x7a: {  	_ =	shalt  }
0x7b: {  	_ =	shalt  }
0x7c: {  	_ =	shalt  }
0x7d: {  	_ =	shalt  }
0x7e: {  	_ =	shalt  }
0x7f: {  	_ =	shalt  }
0x80: {  	_ =	shalt  }
0x81: {  	_ =	shalt  }
0x82: {  	_ =	shalt  }
0x83: {  	_ =	shalt  }
0x84: {  	_ =	shalt  }
0x85: {  	_ =	shalt  }
0x86: {  	_ =	shalt  }
0x87: {  	_ =	shalt  }
.Lfunc_end0:
.L_simem_size_0:
called_computation.1_lowered:
.L_overlay_start_0:
0x88: {  	s2 =	sld [smem:$0x3FD9]  }
0x89: {  	s3 =	sld [smem:$0x3FFE];
	_ =	sdelay $0x1  }
0x8a: {  	s1 =	srdreg.scid  }
0x8b: {  	s0 =	sand.u32 $0x1, s1  }
0x8c: {  	s16 =	sshll.u32 s0, $0xA;
	s2 =	sadd.s32 s3, s2  }
0x8d: {  	s2 =	sadd.s32 s2, s16  }
0x8e: {  	[smem:$0x3FBC] =	sst s2  }
0x8f: {  	_ = 	snop  }
0x90: {  	(tm) =	ssettm $0x1  }
0x91: {  	s17 =	sld [smem:$0x3FFB];
	_ =	sdelay $0x3  }
0x92: {  	_ =	strace s17  }
0x93: {  	s2 =	sld [smem:$0x3FFC];
	_ =	sdelay $0x3  }
0x94: {  	_ =	strace s2  }
0x95: {  	s2 =	sld [smem:$0x3FFD];
	_ =	sdelay $0x3  }
0x96: {  	_ =	strace s2  }
0x97: {  	_ =	strace $0x8FFFFFFF  }
0x98: {  	s18 =	sld [smem:$0x3FDB];
	_ =	sdelay $0x1  }
0x99: {  	s19 =	simm.s32 $_scs_section_size  }
0x9a: {  	s4 =	simm.s32 $_size__tile_overlayer_lowered;
	s5 =	simm.s32 $_tile_overlayer_lowered  }
0x9b: {  	s22 =	simm.s32 $0x1BFF;
	s21 =	sshll.u32 s5, $0x1;
	s2 =	sadd.s32 s19, s18  }
0x9c: {  	s6 =	simm.s32 $0x0;
	s20 =	sshll.u32 s4, $0x1;
	s4 =	sadd.s32 s21, s2  }
0x9d: {  	[timem:s6], [sflag:s22] =	dma.local [hbm:s4], s20  }
0x9e: {  	_ =	swait.ge [sflag:s22], s20  }
0x9f: {  	s3 =	ssub.s32 $0x0, s20;
	[sflag:s22] =	ssyncset.done $0x0  }
0xa0: {  	[sflag:s22] =	ssyncadd.s32 s3;
	_ =	sdelay $0x1  }
0xa1: {  	s23 =	simm.s32 $0x1B8B  }
0xa2: {  	_ =	swait.ge [sflag:s23], $0x1  }
0xa3: {  	[sflag:s23] =	ssyncset.done $0x0  }
0xa4: {  	s25 =	simm.s32 $0x1B8E;
	s24 =	sld [smem:$0x3FFE];
	[sflag:s23] =	ssyncadd.s32 $0xFFFFFFFF  }
0xa5: {  	s26 =	simm.s32 $execute0_lowered;
	[smem:$0x3FD2] =	sst s25  }
0xa6: {  	s4 =	sshll.u32 s26, $0x1;
	_ =	strace $0x80000049;
	[dreg:$0x1] =	wrdreg $0xFFFFFFFF  }
0xa7: {  	s28 =	simm.s32 $_size_execute0_lowered;
	s2 =	sadd.s32 s2, s4;
	[dreg:$0x0] =	wrdreg $0x0  }
0xa8: {  	s4 =	sshll.u32 s28, $0x1;
	[dreg:$0x2] =	wrdreg s2  }
0xa9: {  	[dreg:$0x3] =	wrdreg s4  }
0xaa: {  	[dreg:$0x4] =	wrdreg $0xC0  }
0xab: {  	_ =	task [dreg:s6], $0x5FFFF  }
0xac: {  	[dreg:$0x1] =	wrdreg $0xFFFFFFFF  }
0xad: {  	[dreg:$0x0] =	wrdreg $0x60  }
0xae: {  	[dreg:$0x2] =	wrdreg s24  }
0xaf: {  	[dreg:$0x3] =	wrdreg $0xAA00  }
0xb0: {  	[dreg:$0x4] =	wrdreg $0x9  }
0xb1: {  	_ =	task.clear_ibuf [dreg:s6], $0x5FFFF;
	_ =	strace $0x90000049  }
0xb2: {  	s29 =	simm.s32 $0x9;
	_ =	strace $0x8000004B  }
0xb3: {  	_ =	swait.ge [sflag:s29], $0x1  }
0xb4: {  	[sflag:s29] =	ssyncadd.s32 $0xFFFFFFFF  }
0xb5: {  	_ =	strace $0x9000004B  }
0xb6: {  	_ =	sfence  }
0xb7: {  	s30 =	sld [smem:$0x0];
	_ =	sdelay $0x2  }
0xb8: {  	s31 =	sshll.u32 s1, $0xD;
	s1 =	sshrl.u32 s1, $0x2  }
0xb9: {  	s3 =	sand.u32 $0x4000, s31;
	s1 =	sadd.s32 s1, s30  }
0xba: {  	s0 =	sor.u32 s3, s0;
	s1 =	sshll.u32 s1, $0x11  }
0xbb: {  	s0 =	sor.u32 s1, s0  }
0xbc: {  	s0 =	sadd.s32 $0x8F2B, s0  }
0xbd: {  	[sflag:s0] =	ssyncadd.remote.s32 $0x1  }
0xbe: {  	_ =	sfence.sel $0xFFFF  }
0xbf: {  	[dreg:$0x0] =	wrdreg $0xFFFFFFFF;
	(pc) =	sbr.abs _section_cstart, $3  }
0xc0: {  	[dreg:$0x1] =	wrdreg $0xFFFFFFFF  }
0xc1: {  	_ =	task.clear_ibuf [dreg:s6], $0x2FFFF;
	_ =	strace $0x9FFFFFFF  }
0xc2: {  	(tm) =	ssettm $0x7FFFFFFF  }
0xc3: {  	_ =	shalt  }
tec
execute0_lowered:
.L_overlay_start_1:
0x0: {  	(tag) =	ssettag $0x1  }
0x1: {  	s8 =	rddreg [dreg:$0x0]  }
0x2: {  	s2 =	rddreg [dreg:$0x1]  }
0x3: {  	s0 =	rddreg [dreg:$0x2]  }
0x4: {  	s1 =	stileid.u32;
	s5 =	srdreg.scid;
	s3 =	simm.s32 $0x0  }
0x5: {  	s14 =	simm.s32 $0xA0;
	s15 =	simm.s32 $0x1;
	s4 =	smul.u32 $0x9C4, s1  }
0x6: {  	s16 =	simm.s32 $0x0;
	s6 =	smul.u32 $0x5000, s1;
	s7 =	sand.u32 $0x1, s5  }
0x7: {  	[smem:$0x7FF] =	sst s3;
	s31 =	sshll.u32 s1, $0x6;
	s5 =	smul.u32 $0x50000, s7  }
0x8: {  	_ =	strace $0x8000004A;
	s30 =	ssub.s32 $0x2, s7;
	p0 =	seq.s32 s7, $0x1  }
0x9: {  	s10 =	sadd.s32 s4, s8;
	s9 =	sshrl.u32 s6, $0x3;
	s11 =	sshrl.u32 s30, $0x1  }
0xa: {  	s13 =	sadd.s32 s6, s2;
	s29 =	sadd.s32 s6, s5;
	s9 =	sadd.s32 s9, s8  }
0xb: {  	s11 =	ssub.s32 s30, s11;
	s5 =	sor.u32 $0x1C02, s31;
	s4 =	sshrl.u32 s29, $0x3  }
0xc: {  	s7 =	smax.u32 s11, $0x1;
	s11 =	sshrl.u32 s13, $0x3;
	s13 =	simm.s32 $0x50  }
0xd: {  	s12 =	sadd.s32 s4, s8;
	s4 =	sadd.s32 $0x2A600, s9;
	s9 =	simm.s32 $0x16600  }
0xe: {  	s6 =	sadd.s32 $0x34600, s12;
	s9 =	simm.s32 @!p0 $0x20600;
	s12 =	simm.s32 $0x2  }
0xf: {  	s8 =	sadd.s32 s9, s8;
	s9 =	sadd.s32 $0x2A00, s10;
	s10 =	sadd.s32 $0xC800, s10  }
.LBB2_1:
0x10: {  	[spmem:s11], [sflag:s5] =	dma.local [hbm:s4], $0xA00  }
0x11: {  	_ =	swait.ge [sflag:s12], $0xA00  }
0x12: {  	[sflag:s12] =	ssyncset.done $0x0  }
0x13: {  	[sflag:s12] =	ssyncadd.s32 $0xFFFFF600  }
0x14: {  	s17 =	sadd.s32 $0x0, s10;
	[bflag:$0x0] =	sbarrier.arrive $0xFFFF  }
0x15: {  	[tilespmem:s3], [sflag:$0x2] =	stream.linear.gather [hbm4b:s17+s3], $0x50, $0x38;
	[tilespmem:$0x5AA0] =	vst v63  }
0x16: {  	_ =	swait.ge [sflag:s12], $0x50  }
0x17: {  	[sflag:s12] =	ssyncset.done $0x0  }
0x18: {  	s31 =	sadd.s32 $0x0, s9;
	[sflag:s12] =	ssyncadd.s32 $0xFFFFFFB0  }
0x19: {  	[tilespmem:s13], [sflag:$0x2] =	stream.linear.gather [hbm4b:s31+s3], $0x50, $0x38;
	[tilespmem:$0x5AA0] =	vst v63  }
0x1a: {  	_ =	swait.ge [sflag:s12], $0x50  }
0x1b: {  	[sflag:s12] =	ssyncset.done $0x0  }
0x1c: {  	[sflag:s12] =	ssyncadd.s32 $0xFFFFFFB0  }
0x1d: {  	[tilespmem:s14], [sflag:$0x1] =	stream.indirect.gather [hbm4b:s8+s13], $0x20, s3, s13, $0xb8;
	[tilespmem:$0x5AA0] =	vst v63  }
0x1e: {  	_ =	swait.ge [sflag:s15], $0xA00  }
0x1f: {  	[sflag:s15] =	ssyncset.done $0x0  }
0x20: {  	[sflag:s15] =	ssyncadd.s32 $0xFFFFF600  }
0x21: {  	[spmem:s2] =	stream.indirect.scatter.add.f32 [tilespmem:s14], [sflag:$0x2], $0x20, s13, s13, $0xb8;
	[tilespmem:$0x5AA0] =	vst v63  }
0x22: {  	_ =	swait.ge [sflag:s12], $0xA00  }
0x23: {  	s18 =	simm.s32 $0x14;
	s17 =	simm.s32 $0xA;
	[sflag:s12] =	ssyncset.done $0x0  }
.LBB2_2:
0x24: {  	s19 =	sadd.s32 s17, s10  }
0x25: {  	[sflag:s12] =	ssyncadd.s32 $0xFFFFF600;
	s20 =	smov.u32 s18;
	s21 =	sadd.s32 $0xA, s18  }
0x26: {  	[tilespmem:s3], [sflag:$0x2] =	stream.linear.gather [hbm4b:s19+s3], $0x50, $0x38;
	[tilespmem:$0x5AA0] =	vst v63  }
0x27: {  	p0 =	sne.s32 s18, $0x9BA;
	_ =	swait.ge [sflag:s12], $0x50  }
0x28: {  	[sflag:s12] =	ssyncset.done $0x0  }
0x29: {  	s18 =	sadd.s32 s17, s9;
	s17 =	smov.u32 s20;
	[sflag:s12] =	ssyncadd.s32 $0xFFFFFFB0  }
0x2a: {  	[tilespmem:s13], [sflag:$0x2] =	stream.linear.gather [hbm4b:s18+s3], $0x50, $0x38;
	[tilespmem:$0x5AA0] =	vst v63  }
0x2b: {  	_ =	swait.ge [sflag:s12], $0x50  }
0x2c: {  	[sflag:s12] =	ssyncset.done $0x0  }
0x2d: {  	[sflag:s12] =	ssyncadd.s32 $0xFFFFFFB0  }
0x2e: {  	[tilespmem:s14], [sflag:$0x1] =	stream.indirect.gather [hbm4b:s8+s13], $0x20, s3, s13, $0xb8;
	[tilespmem:$0x5AA0] =	vst v63  }
0x2f: {  	_ =	swait.ge [sflag:s15], $0xA00  }
.Ltmp0:
0x30: {  	[sflag:s15] =	ssyncset.done $0x0;
	(pc) =	sbr.rel @p0 .LBB2_2-.Ltmp0, $4  }
0x31: {  	[sflag:s15] =	ssyncadd.s32 $0xFFFFF600  }
0x32: {  	[spmem:s2] =	stream.indirect.scatter.add.f32 [tilespmem:s14], [sflag:$0x2], $0x20, s13, s13, $0xb8;
	[tilespmem:$0x5AA0] =	vst v63  }
0x33: {  	_ =	swait.ge [sflag:s12], $0xA00  }
0x34: {  	s18 =	smov.u32 s21;
	[sflag:s12] =	ssyncset.done $0x0  }
0x35: {  	s18 =	sadd.s32 s17, s10;
	[sflag:s12] =	ssyncadd.s32 $0xFFFFF600  }
0x36: {  	[tilespmem:s3], [sflag:$0x2] =	stream.linear.gather [hbm4b:s18+s3], $0x50, $0x38;
	[tilespmem:$0x5AA0] =	vst v63  }
0x37: {  	_ =	swait.ge [sflag:s12], $0x50  }
0x38: {  	[sflag:s12] =	ssyncset.done $0x0  }
0x39: {  	s31 =	sadd.s32 s17, s9;
	[sflag:s12] =	ssyncadd.s32 $0xFFFFFFB0  }
0x3a: {  	[tilespmem:s13], [sflag:$0x2] =	stream.linear.gather [hbm4b:s31+s3], $0x50, $0x38;
	[tilespmem:$0x5AA0] =	vst v63  }
0x3b: {  	_ =	swait.ge [sflag:s12], $0x50  }
0x3c: {  	[sflag:s12] =	ssyncset.done $0x0  }
0x3d: {  	[sflag:s12] =	ssyncadd.s32 $0xFFFFFFB0  }
0x3e: {  	[tilespmem:s14], [sflag:$0x1] =	stream.indirect.gather [hbm4b:s8+s13], $0x20, s3, s13, $0xb8;
	[tilespmem:$0x5AA0] =	vst v63  }
0x3f: {  	_ =	swait.ge [sflag:s15], $0xA00  }
0x40: {  	[sflag:s15] =	ssyncset.done $0x0  }
0x41: {  	[sflag:s15] =	ssyncadd.s32 $0xFFFFF600  }
0x42: {  	[spmem:s2] =	stream.indirect.scatter.add.f32 [tilespmem:s14], [sflag:$0x2], $0x20, s13, s13, $0xb8;
	[tilespmem:$0x5AA0] =	vst v63  }
0x43: {  	_ =	swait.ge [sflag:s12], $0xA00  }
0x44: {  	s16 =	sadd.s32 $0x1, s16;
	[sflag:s12] =	ssyncset.done $0x0  }
0x45: {  	p0 =	sne.s32 s16, s7;
	[sflag:s12] =	ssyncadd.s32 $0xFFFFF600  }
.Ltmp1:
0x46: {  	[bflag:$0x0] =	sbarrier.arrive $0xFFFF;
	(pc) =	sbr.rel @p0 .LBB2_1-.Ltmp1, $4  }
0x47: {  	[hbm:s6], [sflag:s5] =	dma.local [spmem:s11], $0xA00  }
0x48: {  	_ =	swait.ge [sflag:s12], $0xA00  }
0x49: {  	[sflag:s12] =	ssyncset.done $0x0  }
0x4a: {  	[sflag:s12] =	ssyncadd.s32 $0xFFFFF600  }
0x4b: {  	_ =	sfence.sel $0x180000  }
0x4c: {  	[bflag:$0x0] =	sbarrier.arrive $0xFFFF  }
0x4d: {  	p0 =	sne.s32 s1, $0x0;
	_ =	strace $0x9000004A  }
0x4e: {  	s0 =	sadd.s32 @!p0 $0x100000, s0;
	[bflag:$0x2] =	sbarrier.arrive $0xFFFF  }
0x4f: {  	[sflag:s0] =	ssyncadd.tile.s32 @!p0 $0x1;
	_ =	shalt  }
.Lfunc_end2:
_tile_overlayer_lowered:
.L_overlay_start_2:
0x50: {  	(tag) =	ssettag $0x2  }
0x51: {  	s0 =	rddreg [dreg:$0x0];
	s2 =	stileid.u32  }
0x52: {  	s1 =	rddreg [dreg:$0x1];
	p0 =	sne.s32 s2, $0x0  }
0x53: {  	s3 =	rddreg [dreg:$0x2];
	[bflag:$0x3] =	sbarrier.arrive $0xFFFF;
	s2 =	simm.s32 @!p0 $0x1C02  }
0x54: {  	[timem:s3], [sflag:s2] =	dma.local @!p0 [hbm:s0], s1  }
0x55: {  	s0 =	simm.s32 @!p0 $0x2  }
0x56: {  	_ =	swait.ge @!p0 [sflag:s0], s1  }
0x57: {  	s1 =	ssub.s32 @!p0 $0x0, s1;
	[sflag:s0] =	ssyncset.done @!p0 $0x0  }
0x58: {  	[sflag:s0] =	ssyncadd.s32 @!p0 s1  }
0x59: {  	[bflag:$0x3] =	sbarrier.arrive $0xFFFF  }
0x5a: {  	_ =	shalt  }

// kernel: kernel.16.cloned.1.call-start
scs
__scs_entry_jumppad:
0x0: {  	(pc) =	sbr.rel $0x88, $3  }
0x1: {  	(tag) =	ssettag $0x0;
	lr =	simm.s32 $0x1  }
0x2: {  	[smem:$0x3F95] =	sst lr;
	_ =	strace $0xD0000000  }
0x3: {  	_ = 	snop  }
0x4: {  	_ = 	snop  }
0x5: {  	_ = 	snop  }
0x6: {  	_ = 	snop  }
0x7: {  	_ = 	snop  }
__scs_overlays_trampoline_lowered:
0x8: {  	[smem:$0x3FA4] =	sst s0  }
0x9: {  	[smem:$0x3FA5] =	sst s1  }
0xa: {  	[smem:$0x3FA6] =	sst s2  }
0xb: {  	[smem:$0x3FA7] =	sst s3  }
0xc: {  	[smem:$0x3FA8] =	sst s4  }
0xd: {  	[smem:$0x3FA9] =	sst s5  }
0xe: {  	[smem:$0x3FAA] =	sst s6  }
0xf: {  	[smem:$0x3FAB] =	sst s7  }
0x10: {  	[smem:$0x3FAC] =	sst s8  }
0x11: {  	[smem:$0x3FAD] =	sst s9;
	s0 =	simm.s32 @!p0 $0x0  }
0x12: {  	s1 =	sld [smem:$0x3F93];
	s0 =	simm.s32 @p0 $0x1  }
0x13: {  	[smem:$0x3FAE] =	sst s0;
	s0 =	simm.s32 @!p1 $0x0  }
0x14: {  	s2 =	sld [smem:$0x3F92];
	s0 =	simm.s32 @p1 $0x1  }
0x15: {  	[smem:$0x3FAF] =	sst s0;
	s0 =	simm.s32 @!p2 $0x0  }
0x16: {  	s3 =	sld [smem:$0x3FDB];
	s0 =	simm.s32 @p2 $0x1  }
0x17: {  	s4 =	simm.s32 $0x1BF5;
	[smem:$0x3FB1] =	sst s0  }
0x18: {  	s0 =	sld [smem:$0x3F94];
	_ =	swait.ge [sflag:s4], $0x0  }
0x19: {  	s7 =	sld [smem:$0x3F95]  }
0x1a: {  	s8 =	sadd.s32 $0xFFFFE003, lr  }
0x1b: {  	s9 =	sadd.s32 $0xFFFFFEF7, lr;
	s5 =	simm.s32 $0xFFFFFFFF;
	p2 =	slt.u32 s8, $0xFFFFF086  }
0x1c: {  	p1 =	slt.u32 s9, $0xF7A;
	s5 =	simm.s32 @!p2 $0x0  }
0x1d: {  	s5 =	simm.s32 @p1 $0x1;
	p0 =	seq.s32 s7, s2  }
0x1e: {  	s7 =	smul.u32 @!p0 $0xF7A, s2;
	p2 =	seq.s32 @!p0 s5, $0x0  }
0x1f: {  	s9 =	smul.u32 $0xF7A, s1;
	s8 =	simm.s32 @!p0 $0x1BF5;
	p2 =	por !p2, p0  }
0x20: {  	[sflag:s8] =	ssyncset.s32 @!p0 $0xFFFFF086;
	s6 =	sadd.s32 @!p0 s3, s7;
	s7 =	simm.s32 @!p0 $0x108  }
0x21: {  	s3 =	sadd.s32 s3, s9;
	s6 =	sadd.s32 @!p0 $0x88, s6;
	s7 =	simm.s32 @p2 $0x1082  }
0x22: {  	[simem:s7], [sflag:s8] =	dma.local @!p0 [hbm:s6], $0xF7A  }
0x23: {  	s9 =	sor.u32 $0xD0000000, s2;
	s6 =	simm.s32 $0x108;
	_ =	swait.ge @!p0 [sflag:s8], $0x0  }
0x24: {  	s3 =	sadd.s32 $0x88, s3;
	s6 =	simm.s32 @!p1 $0x1082;
	[sflag:s4] =	ssyncset.s32 $0xFFFFF086  }
0x25: {  	[simem:s6], [sflag:s4] =	dma.local [hbm:s3], $0xF7A  }
0x26: {  	[smem:$0x3F95] =	sst s1;
	(tag) =	ssettag s2;
	_ =	strace s9  }
0x27: {  	s1 =	sld [smem:$0x3FA5]  }
0x28: {  	s2 =	sld [smem:$0x3FA6]  }
0x29: {  	s4 =	sld [smem:$0x3FA8]  }
0x2a: {  	p0 =	seq.s32 s5, $0x0;
	s5 =	sld [smem:$0x3FA9]  }
0x2b: {  	s6 =	sld [smem:$0x3FAA]  }
0x2c: {  	s7 =	sld [smem:$0x3FAB]  }
0x2d: {  	s3 =	simm.s32 $0x108;
	s8 =	sld [smem:$0x3FAC]  }
0x2e: {  	s3 =	simm.s32 @!p0 $0x1082;
	s9 =	sld [smem:$0x3FAD]  }
0x2f: {  	lr =	sadd.s32 s0, s3;
	s0 =	sld [smem:$0x3FA4]  }
0x30: {  	s3 =	sld [smem:$0x3FA7]  }
0x31: {  	[smem:$0x3FB0] =	sst s10  }
0x32: {  	s10 =	sld [smem:$0x3FAE];
	_ =	sdelay $0x3  }
0x33: {  	p0 =	seq.s32 s10, $0x1;
	s10 =	sld [smem:$0x3FB0];
	_ =	sdelay $0x3  }
0x34: {  	[smem:$0x3FB0] =	sst s10  }
0x35: {  	s10 =	sld [smem:$0x3FAF];
	_ =	sdelay $0x3  }
0x36: {  	p1 =	seq.s32 s10, $0x1;
	s10 =	sld [smem:$0x3FB0];
	_ =	sdelay $0x3  }
0x37: {  	[smem:$0x3FB0] =	sst s10  }
0x38: {  	s10 =	sld [smem:$0x3FB1]  }
0x39: {  	_ = 	snop;
	(pc) =	sbr.ind lr, $3  }
0x3a: {  	_ = 	snop  }
0x3b: {  	_ = 	snop  }
0x3c: {  	p2 =	seq.s32 s10, $0x1;
	s10 =	sld [smem:$0x3FB0]  }
0x3d: {  	_ =	shalt  }
0x3e: {  	_ =	shalt  }
0x3f: {  	_ =	shalt  }
0x40: {  	_ =	shalt  }
0x41: {  	_ =	shalt  }
0x42: {  	_ =	shalt  }
0x43: {  	_ =	shalt  }
0x44: {  	_ =	shalt  }
0x45: {  	_ =	shalt  }
0x46: {  	_ =	shalt  }
0x47: {  	_ =	shalt  }
0x48: {  	_ =	shalt  }
0x49: {  	_ =	shalt  }
0x4a: {  	_ =	shalt  }
0x4b: {  	_ =	shalt  }
0x4c: {  	_ =	shalt  }
0x4d: {  	_ =	shalt  }
0x4e: {  	_ =	shalt  }
0x4f: {  	_ =	shalt  }
0x50: {  	_ =	shalt  }
0x51: {  	_ =	shalt  }
0x52: {  	_ =	shalt  }
0x53: {  	_ =	shalt  }
0x54: {  	_ =	shalt  }
0x55: {  	_ =	shalt  }
0x56: {  	_ =	shalt  }
0x57: {  	_ =	shalt  }
0x58: {  	_ =	shalt  }
0x59: {  	_ =	shalt  }
0x5a: {  	_ =	shalt  }
0x5b: {  	_ =	shalt  }
0x5c: {  	_ =	shalt  }
0x5d: {  	_ =	shalt  }
0x5e: {  	_ =	shalt  }
0x5f: {  	_ =	shalt  }
0x60: {  	_ =	shalt  }
0x61: {  	_ =	shalt  }
0x62: {  	_ =	shalt  }
0x63: {  	_ =	shalt  }
0x64: {  	_ =	shalt  }
0x65: {  	_ =	shalt  }
0x66: {  	_ =	shalt  }
0x67: {  	_ =	shalt  }
0x68: {  	_ =	shalt  }
0x69: {  	_ =	shalt  }
0x6a: {  	_ =	shalt  }
0x6b: {  	_ =	shalt  }
0x6c: {  	_ =	shalt  }
0x6d: {  	_ =	shalt  }
0x6e: {  	_ =	shalt  }
0x6f: {  	_ =	shalt  }
0x70: {  	_ =	shalt  }
0x71: {  	_ =	shalt  }
0x72: {  	_ =	shalt  }
0x73: {  	_ =	shalt  }
0x74: {  	_ =	shalt  }
0x75: {  	_ =	shalt  }
0x76: {  	_ =	shalt  }
0x77: {  	_ =	shalt  }
0x78: {  	_ =	shalt  }
0x79: {  	_ =	shalt  }
0x7a: {  	_ =	shalt  }
0x7b: {  	_ =	shalt  }
0x7c: {  	_ =	shalt  }
0x7d: {  	_ =	shalt  }
0x7e: {  	_ =	shalt  }
0x7f: {  	_ =	shalt  }
0x80: {  	_ =	shalt  }
0x81: {  	_ =	shalt  }
0x82: {  	_ =	shalt  }
0x83: {  	_ =	shalt  }
0x84: {  	_ =	shalt  }
0x85: {  	_ =	shalt  }
0x86: {  	_ =	shalt  }
0x87: {  	_ =	shalt  }
.Lfunc_end0:
.L_simem_size_0:
called_computation.2_lowered:
.L_overlay_start_0:
0x88: {  	s2 =	sld [smem:$0x3FD9]  }
0x89: {  	s3 =	sld [smem:$0x3FFE];
	_ =	sdelay $0x1  }
0x8a: {  	s1 =	srdreg.scid  }
0x8b: {  	s0 =	sand.u32 $0x1, s1  }
0x8c: {  	s16 =	sshll.u32 s0, $0xA;
	s2 =	sadd.s32 s3, s2  }
0x8d: {  	s2 =	sadd.s32 s2, s16  }
0x8e: {  	[smem:$0x3FBC] =	sst s2  }
0x8f: {  	_ = 	snop  }
0x90: {  	(tm) =	ssettm $0x1  }
0x91: {  	s17 =	sld [smem:$0x3FFB];
	_ =	sdelay $0x3  }
0x92: {  	_ =	strace s17  }
0x93: {  	s2 =	sld [smem:$0x3FFC];
	_ =	sdelay $0x3  }
0x94: {  	_ =	strace s2  }
0x95: {  	s2 =	sld [smem:$0x3FFD];
	_ =	sdelay $0x3  }
0x96: {  	_ =	strace s2  }
0x97: {  	_ =	strace $0x8FFFFFFF  }
0x98: {  	s18 =	sld [smem:$0x3FDB];
	_ =	sdelay $0x1  }
0x99: {  	s19 =	simm.s32 $_scs_section_size  }
0x9a: {  	s4 =	simm.s32 $_size__tile_overlayer_lowered;
	s5 =	simm.s32 $_tile_overlayer_lowered  }
0x9b: {  	s22 =	simm.s32 $0x1BFF;
	s21 =	sshll.u32 s5, $0x1;
	s2 =	sadd.s32 s19, s18  }
0x9c: {  	s6 =	simm.s32 $0x0;
	s20 =	sshll.u32 s4, $0x1;
	s4 =	sadd.s32 s21, s2  }
0x9d: {  	[timem:s6], [sflag:s22] =	dma.local [hbm:s4], s20  }
0x9e: {  	_ =	swait.ge [sflag:s22], s20  }
0x9f: {  	s3 =	ssub.s32 $0x0, s20;
	[sflag:s22] =	ssyncset.done $0x0  }
0xa0: {  	[sflag:s22] =	ssyncadd.s32 s3;
	_ =	sdelay $0x1  }
0xa1: {  	s23 =	simm.s32 $0x1B8B  }
0xa2: {  	_ =	swait.ge [sflag:s23], $0x1  }
0xa3: {  	[sflag:s23] =	ssyncset.done $0x0  }
0xa4: {  	s25 =	simm.s32 $0x1B8E;
	s24 =	sld [smem:$0x3FFE];
	[sflag:s23] =	ssyncadd.s32 $0xFFFFFFFF  }
0xa5: {  	s26 =	simm.s32 $execute0_lowered;
	[smem:$0x3FD2] =	sst s25  }
0xa6: {  	s4 =	sshll.u32 s26, $0x1;
	_ =	strace $0x8000004C;
	[dreg:$0x1] =	wrdreg $0xFFFFFFFF  }
0xa7: {  	s28 =	simm.s32 $_size_execute0_lowered;
	s2 =	sadd.s32 s2, s4;
	[dreg:$0x0] =	wrdreg $0x0  }
0xa8: {  	s4 =	sshll.u32 s28, $0x1;
	[dreg:$0x2] =	wrdreg s2  }
0xa9: {  	[dreg:$0x3] =	wrdreg s4  }
0xaa: {  	[dreg:$0x4] =	wrdreg $0xC0  }
0xab: {  	_ =	task [dreg:s6], $0x5FFFF  }
0xac: {  	[dreg:$0x1] =	wrdreg $0xFFFFFFFF  }
0xad: {  	[dreg:$0x0] =	wrdreg $0x60  }
0xae: {  	[dreg:$0x2] =	wrdreg s24  }
0xaf: {  	[dreg:$0x3] =	wrdreg $0xAA00  }
0xb0: {  	[dreg:$0x4] =	wrdreg $0x9  }
0xb1: {  	_ =	task.clear_ibuf [dreg:s6], $0x5FFFF;
	_ =	strace $0x9000004C  }
0xb2: {  	s29 =	simm.s32 $0x9;
	_ =	strace $0x8000004E  }
0xb3: {  	_ =	swait.ge [sflag:s29], $0x1  }
0xb4: {  	[sflag:s29] =	ssyncadd.s32 $0xFFFFFFFF  }
0xb5: {  	_ =	strace $0x9000004E  }
0xb6: {  	_ =	sfence  }
0xb7: {  	s30 =	sld [smem:$0x0];
	_ =	sdelay $0x2  }
0xb8: {  	s31 =	sshll.u32 s1, $0xD;
	s1 =	sshrl.u32 s1, $0x2  }
0xb9: {  	s3 =	sand.u32 $0x4000, s31;
	s1 =	sadd.s32 s1, s30  }
0xba: {  	s0 =	sor.u32 s3, s0;
	s1 =	sshll.u32 s1, $0x11  }
0xbb: {  	s0 =	sor.u32 s1, s0  }
0xbc: {  	s0 =	sadd.s32 $0x8F2B, s0  }
0xbd: {  	[sflag:s0] =	ssyncadd.remote.s32 $0x1  }
0xbe: {  	_ =	sfence.sel $0xFFFF  }
0xbf: {  	[dreg:$0x0] =	wrdreg $0xFFFFFFFF;
	(pc) =	sbr.abs _section_cstart, $3  }
0xc0: {  	[dreg:$0x1] =	wrdreg $0xFFFFFFFF  }
0xc1: {  	_ =	task.clear_ibuf [dreg:s6], $0x2FFFF;
	_ =	strace $0x9FFFFFFF  }
0xc2: {  	(tm) =	ssettm $0x7FFFFFFF  }
0xc3: {  	_ =	shalt  }
tec
execute0_lowered:
.L_overlay_start_1:
0x0: {  	(tag) =	ssettag $0x1  }
0x1: {  	s8 =	rddreg [dreg:$0x0]  }
0x2: {  	s2 =	rddreg [dreg:$0x1]  }
0x3: {  	s0 =	rddreg [dreg:$0x2]  }
0x4: {  	s1 =	stileid.u32;
	s5 =	srdreg.scid;
	s3 =	simm.s32 $0x0  }
0x5: {  	s14 =	simm.s32 $0xA0;
	s15 =	simm.s32 $0x1;
	s4 =	smul.u32 $0x9C4, s1  }
0x6: {  	s16 =	simm.s32 $0x0;
	s6 =	smul.u32 $0x5000, s1;
	s7 =	sand.u32 $0x1, s5  }
0x7: {  	[smem:$0x7FF] =	sst s3;
	s31 =	sshll.u32 s1, $0x6;
	s5 =	smul.u32 $0x50000, s7  }
0x8: {  	_ =	strace $0x8000004D;
	s30 =	ssub.s32 $0x2, s7;
	p0 =	seq.s32 s7, $0x1  }
0x9: {  	s10 =	sadd.s32 s4, s8;
	s9 =	sshrl.u32 s6, $0x3;
	s11 =	sshrl.u32 s30, $0x1  }
0xa: {  	s13 =	sadd.s32 s6, s2;
	s29 =	sadd.s32 s6, s5;
	s9 =	sadd.s32 s9, s8  }
0xb: {  	s11 =	ssub.s32 s30, s11;
	s5 =	sor.u32 $0x1C02, s31;
	s4 =	sshrl.u32 s29, $0x3  }
0xc: {  	s7 =	smax.u32 s11, $0x1;
	s11 =	sshrl.u32 s13, $0x3;
	s13 =	simm.s32 $0x50  }
0xd: {  	s12 =	sadd.s32 s4, s8;
	s4 =	sadd.s32 $0x2A600, s9;
	s9 =	simm.s32 $0x16600  }
0xe: {  	s6 =	sadd.s32 $0x34600, s12;
	s9 =	simm.s32 @!p0 $0x20600;
	s12 =	simm.s32 $0x2  }
0xf: {  	s8 =	sadd.s32 s9, s8;
	s9 =	sadd.s32 $0x2A00, s10;
	s10 =	sadd.s32 $0xC800, s10  }
.LBB2_1:
0x10: {  	[spmem:s11], [sflag:s5] =	dma.local [hbm:s4], $0xA00  }
0x11: {  	_ =	swait.ge [sflag:s12], $0xA00  }
0x12: {  	[sflag:s12] =	ssyncset.done $0x0  }
0x13: {  	[sflag:s12] =	ssyncadd.s32 $0xFFFFF600  }
0x14: {  	s17 =	sadd.s32 $0x0, s10;
	[bflag:$0x0] =	sbarrier.arrive $0xFFFF  }
0x15: {  	[tilespmem:s3], [sflag:$0x2] =	stream.linear.gather [hbm4b:s17+s3], $0x50, $0x38;
	[tilespmem:$0x5AA0] =	vst v63  }
0x16: {  	_ =	swait.ge [sflag:s12], $0x50  }
0x17: {  	[sflag:s12] =	ssyncset.done $0x0  }
0x18: {  	s31 =	sadd.s32 $0x0, s9;
	[sflag:s12] =	ssyncadd.s32 $0xFFFFFFB0  }
0x19: {  	[tilespmem:s13], [sflag:$0x2] =	stream.linear.gather [hbm4b:s31+s3], $0x50, $0x38;
	[tilespmem:$0x5AA0] =	vst v63  }
0x1a: {  	_ =	swait.ge [sflag:s12], $0x50  }
0x1b: {  	[sflag:s12] =	ssyncset.done $0x0  }
0x1c: {  	[sflag:s12] =	ssyncadd.s32 $0xFFFFFFB0  }
0x1d: {  	[tilespmem:s14], [sflag:$0x1] =	stream.indirect.gather [hbm4b:s8+s13], $0x20, s3, s13, $0xb8;
	[tilespmem:$0x5AA0] =	vst v63  }
0x1e: {  	_ =	swait.ge [sflag:s15], $0xA00  }
0x1f: {  	[sflag:s15] =	ssyncset.done $0x0  }
0x20: {  	[sflag:s15] =	ssyncadd.s32 $0xFFFFF600  }
0x21: {  	[spmem:s2] =	stream.indirect.scatter.add.f32 [tilespmem:s14], [sflag:$0x2], $0x20, s13, s13, $0xb8;
	[tilespmem:$0x5AA0] =	vst v63  }
0x22: {  	_ =	swait.ge [sflag:s12], $0xA00  }
0x23: {  	s18 =	simm.s32 $0x14;
	s17 =	simm.s32 $0xA;
	[sflag:s12] =	ssyncset.done $0x0  }
.LBB2_2:
0x24: {  	s19 =	sadd.s32 s17, s10  }
0x25: {  	[sflag:s12] =	ssyncadd.s32 $0xFFFFF600;
	s20 =	smov.u32 s18;
	s21 =	sadd.s32 $0xA, s18  }
0x26: {  	[tilespmem:s3], [sflag:$0x2] =	stream.linear.gather [hbm4b:s19+s3], $0x50, $0x38;
	[tilespmem:$0x5AA0] =	vst v63  }
0x27: {  	p0 =	sne.s32 s18, $0x9BA;
	_ =	swait.ge [sflag:s12], $0x50  }
0x28: {  	[sflag:s12] =	ssyncset.done $0x0  }
0x29: {  	s18 =	sadd.s32 s17, s9;
	s17 =	smov.u32 s20;
	[sflag:s12] =	ssyncadd.s32 $0xFFFFFFB0  }
0x2a: {  	[tilespmem:s13], [sflag:$0x2] =	stream.linear.gather [hbm4b:s18+s3], $0x50, $0x38;
	[tilespmem:$0x5AA0] =	vst v63  }
0x2b: {  	_ =	swait.ge [sflag:s12], $0x50  }
0x2c: {  	[sflag:s12] =	ssyncset.done $0x0  }
0x2d: {  	[sflag:s12] =	ssyncadd.s32 $0xFFFFFFB0  }
0x2e: {  	[tilespmem:s14], [sflag:$0x1] =	stream.indirect.gather [hbm4b:s8+s13], $0x20, s3, s13, $0xb8;
	[tilespmem:$0x5AA0] =	vst v63  }
0x2f: {  	_ =	swait.ge [sflag:s15], $0xA00  }
.Ltmp0:
0x30: {  	[sflag:s15] =	ssyncset.done $0x0;
	(pc) =	sbr.rel @p0 .LBB2_2-.Ltmp0, $4  }
0x31: {  	[sflag:s15] =	ssyncadd.s32 $0xFFFFF600  }
0x32: {  	[spmem:s2] =	stream.indirect.scatter.add.f32 [tilespmem:s14], [sflag:$0x2], $0x20, s13, s13, $0xb8;
	[tilespmem:$0x5AA0] =	vst v63  }
0x33: {  	_ =	swait.ge [sflag:s12], $0xA00  }
0x34: {  	s18 =	smov.u32 s21;
	[sflag:s12] =	ssyncset.done $0x0  }
0x35: {  	s18 =	sadd.s32 s17, s10;
	[sflag:s12] =	ssyncadd.s32 $0xFFFFF600  }
0x36: {  	[tilespmem:s3], [sflag:$0x2] =	stream.linear.gather [hbm4b:s18+s3], $0x50, $0x38;
	[tilespmem:$0x5AA0] =	vst v63  }
0x37: {  	_ =	swait.ge [sflag:s12], $0x50  }
0x38: {  	[sflag:s12] =	ssyncset.done $0x0  }
0x39: {  	s31 =	sadd.s32 s17, s9;
	[sflag:s12] =	ssyncadd.s32 $0xFFFFFFB0  }
0x3a: {  	[tilespmem:s13], [sflag:$0x2] =	stream.linear.gather [hbm4b:s31+s3], $0x50, $0x38;
	[tilespmem:$0x5AA0] =	vst v63  }
0x3b: {  	_ =	swait.ge [sflag:s12], $0x50  }
0x3c: {  	[sflag:s12] =	ssyncset.done $0x0  }
0x3d: {  	[sflag:s12] =	ssyncadd.s32 $0xFFFFFFB0  }
0x3e: {  	[tilespmem:s14], [sflag:$0x1] =	stream.indirect.gather [hbm4b:s8+s13], $0x20, s3, s13, $0xb8;
	[tilespmem:$0x5AA0] =	vst v63  }
0x3f: {  	_ =	swait.ge [sflag:s15], $0xA00  }
0x40: {  	[sflag:s15] =	ssyncset.done $0x0  }
0x41: {  	[sflag:s15] =	ssyncadd.s32 $0xFFFFF600  }
0x42: {  	[spmem:s2] =	stream.indirect.scatter.add.f32 [tilespmem:s14], [sflag:$0x2], $0x20, s13, s13, $0xb8;
	[tilespmem:$0x5AA0] =	vst v63  }
0x43: {  	_ =	swait.ge [sflag:s12], $0xA00  }
0x44: {  	s16 =	sadd.s32 $0x1, s16;
	[sflag:s12] =	ssyncset.done $0x0  }
0x45: {  	p0 =	sne.s32 s16, s7;
	[sflag:s12] =	ssyncadd.s32 $0xFFFFF600  }
.Ltmp1:
0x46: {  	[bflag:$0x0] =	sbarrier.arrive $0xFFFF;
	(pc) =	sbr.rel @p0 .LBB2_1-.Ltmp1, $4  }
0x47: {  	[hbm:s6], [sflag:s5] =	dma.local [spmem:s11], $0xA00  }
0x48: {  	_ =	swait.ge [sflag:s12], $0xA00  }
0x49: {  	[sflag:s12] =	ssyncset.done $0x0  }
0x4a: {  	[sflag:s12] =	ssyncadd.s32 $0xFFFFF600  }
0x4b: {  	_ =	sfence.sel $0x180000  }
0x4c: {  	[bflag:$0x0] =	sbarrier.arrive $0xFFFF  }
0x4d: {  	p0 =	sne.s32 s1, $0x0;
	_ =	strace $0x9000004D  }
0x4e: {  	s0 =	sadd.s32 @!p0 $0x100000, s0;
	[bflag:$0x2] =	sbarrier.arrive $0xFFFF  }
0x4f: {  	[sflag:s0] =	ssyncadd.tile.s32 @!p0 $0x1;
	_ =	shalt  }
.Lfunc_end2:
_tile_overlayer_lowered:
.L_overlay_start_2:
0x50: {  	(tag) =	ssettag $0x2  }
0x51: {  	s0 =	rddreg [dreg:$0x0];
	s2 =	stileid.u32  }
0x52: {  	s1 =	rddreg [dreg:$0x1];
	p0 =	sne.s32 s2, $0x0  }
0x53: {  	s3 =	rddreg [dreg:$0x2];
	[bflag:$0x3] =	sbarrier.arrive $0xFFFF;
	s2 =	simm.s32 @!p0 $0x1C02  }
0x54: {  	[timem:s3], [sflag:s2] =	dma.local @!p0 [hbm:s0], s1  }
0x55: {  	s0 =	simm.s32 @!p0 $0x2  }
0x56: {  	_ =	swait.ge @!p0 [sflag:s0], s1  }
0x57: {  	s1 =	ssub.s32 @!p0 $0x0, s1;
	[sflag:s0] =	ssyncset.done @!p0 $0x0  }
0x58: {  	[sflag:s0] =	ssyncadd.s32 @!p0 s1  }
0x59: {  	[bflag:$0x3] =	sbarrier.arrive $0xFFFF  }
0x5a: {  	_ =	shalt  }

// kernel: kernel.19.cloned.1.call-start
scs
__scs_entry_jumppad:
0x0: {  	(pc) =	sbr.rel $0x88, $3  }
0x1: {  	(tag) =	ssettag $0x0;
	lr =	simm.s32 $0x1  }
0x2: {  	[smem:$0x3F95] =	sst lr;
	_ =	strace $0xD0000000  }
0x3: {  	_ = 	snop  }
0x4: {  	_ = 	snop  }
0x5: {  	_ = 	snop  }
0x6: {  	_ = 	snop  }
0x7: {  	_ = 	snop  }
__scs_overlays_trampoline_lowered:
0x8: {  	[smem:$0x3FA4] =	sst s0  }
0x9: {  	[smem:$0x3FA5] =	sst s1  }
0xa: {  	[smem:$0x3FA6] =	sst s2  }
0xb: {  	[smem:$0x3FA7] =	sst s3  }
0xc: {  	[smem:$0x3FA8] =	sst s4  }
0xd: {  	[smem:$0x3FA9] =	sst s5  }
0xe: {  	[smem:$0x3FAA] =	sst s6  }
0xf: {  	[smem:$0x3FAB] =	sst s7  }
0x10: {  	[smem:$0x3FAC] =	sst s8  }
0x11: {  	[smem:$0x3FAD] =	sst s9;
	s0 =	simm.s32 @!p0 $0x0  }
0x12: {  	s1 =	sld [smem:$0x3F93];
	s0 =	simm.s32 @p0 $0x1  }
0x13: {  	[smem:$0x3FAE] =	sst s0;
	s0 =	simm.s32 @!p1 $0x0  }
0x14: {  	s2 =	sld [smem:$0x3F92];
	s0 =	simm.s32 @p1 $0x1  }
0x15: {  	[smem:$0x3FAF] =	sst s0;
	s0 =	simm.s32 @!p2 $0x0  }
0x16: {  	s3 =	sld [smem:$0x3FDB];
	s0 =	simm.s32 @p2 $0x1  }
0x17: {  	s4 =	simm.s32 $0x1BF5;
	[smem:$0x3FB1] =	sst s0  }
0x18: {  	s0 =	sld [smem:$0x3F94];
	_ =	swait.ge [sflag:s4], $0x0  }
0x19: {  	s7 =	sld [smem:$0x3F95]  }
0x1a: {  	s8 =	sadd.s32 $0xFFFFE003, lr  }
0x1b: {  	s9 =	sadd.s32 $0xFFFFFEF7, lr;
	s5 =	simm.s32 $0xFFFFFFFF;
	p2 =	slt.u32 s8, $0xFFFFF086  }
0x1c: {  	p1 =	slt.u32 s9, $0xF7A;
	s5 =	simm.s32 @!p2 $0x0  }
0x1d: {  	s5 =	simm.s32 @p1 $0x1;
	p0 =	seq.s32 s7, s2  }
0x1e: {  	s7 =	smul.u32 @!p0 $0xF7A, s2;
	p2 =	seq.s32 @!p0 s5, $0x0  }
0x1f: {  	s9 =	smul.u32 $0xF7A, s1;
	s8 =	simm.s32 @!p0 $0x1BF5;
	p2 =	por !p2, p0  }
0x20: {  	[sflag:s8] =	ssyncset.s32 @!p0 $0xFFFFF086;
	s6 =	sadd.s32 @!p0 s3, s7;
	s7 =	simm.s32 @!p0 $0x108  }
0x21: {  	s3 =	sadd.s32 s3, s9;
	s6 =	sadd.s32 @!p0 $0x88, s6;
	s7 =	simm.s32 @p2 $0x1082  }
0x22: {  	[simem:s7], [sflag:s8] =	dma.local @!p0 [hbm:s6], $0xF7A  }
0x23: {  	s9 =	sor.u32 $0xD0000000, s2;
	s6 =	simm.s32 $0x108;
	_ =	swait.ge @!p0 [sflag:s8], $0x0  }
0x24: {  	s3 =	sadd.s32 $0x88, s3;
	s6 =	simm.s32 @!p1 $0x1082;
	[sflag:s4] =	ssyncset.s32 $0xFFFFF086  }
0x25: {  	[simem:s6], [sflag:s4] =	dma.local [hbm:s3], $0xF7A  }
0x26: {  	[smem:$0x3F95] =	sst s1;
	(tag) =	ssettag s2;
	_ =	strace s9  }
0x27: {  	s1 =	sld [smem:$0x3FA5]  }
0x28: {  	s2 =	sld [smem:$0x3FA6]  }
0x29: {  	s4 =	sld [smem:$0x3FA8]  }
0x2a: {  	p0 =	seq.s32 s5, $0x0;
	s5 =	sld [smem:$0x3FA9]  }
0x2b: {  	s6 =	sld [smem:$0x3FAA]  }
0x2c: {  	s7 =	sld [smem:$0x3FAB]  }
0x2d: {  	s3 =	simm.s32 $0x108;
	s8 =	sld [smem:$0x3FAC]  }
0x2e: {  	s3 =	simm.s32 @!p0 $0x1082;
	s9 =	sld [smem:$0x3FAD]  }
0x2f: {  	lr =	sadd.s32 s0, s3;
	s0 =	sld [smem:$0x3FA4]  }
0x30: {  	s3 =	sld [smem:$0x3FA7]  }
0x31: {  	[smem:$0x3FB0] =	sst s10  }
0x32: {  	s10 =	sld [smem:$0x3FAE];
	_ =	sdelay $0x3  }
0x33: {  	p0 =	seq.s32 s10, $0x1;
	s10 =	sld [smem:$0x3FB0];
	_ =	sdelay $0x3  }
0x34: {  	[smem:$0x3FB0] =	sst s10  }
0x35: {  	s10 =	sld [smem:$0x3FAF];
	_ =	sdelay $0x3  }
0x36: {  	p1 =	seq.s32 s10, $0x1;
	s10 =	sld [smem:$0x3FB0];
	_ =	sdelay $0x3  }
0x37: {  	[smem:$0x3FB0] =	sst s10  }
0x38: {  	s10 =	sld [smem:$0x3FB1]  }
0x39: {  	_ = 	snop;
	(pc) =	sbr.ind lr, $3  }
0x3a: {  	_ = 	snop  }
0x3b: {  	_ = 	snop  }
0x3c: {  	p2 =	seq.s32 s10, $0x1;
	s10 =	sld [smem:$0x3FB0]  }
0x3d: {  	_ =	shalt  }
0x3e: {  	_ =	shalt  }
0x3f: {  	_ =	shalt  }
0x40: {  	_ =	shalt  }
0x41: {  	_ =	shalt  }
0x42: {  	_ =	shalt  }
0x43: {  	_ =	shalt  }
0x44: {  	_ =	shalt  }
0x45: {  	_ =	shalt  }
0x46: {  	_ =	shalt  }
0x47: {  	_ =	shalt  }
0x48: {  	_ =	shalt  }
0x49: {  	_ =	shalt  }
0x4a: {  	_ =	shalt  }
0x4b: {  	_ =	shalt  }
0x4c: {  	_ =	shalt  }
0x4d: {  	_ =	shalt  }
0x4e: {  	_ =	shalt  }
0x4f: {  	_ =	shalt  }
0x50: {  	_ =	shalt  }
0x51: {  	_ =	shalt  }
0x52: {  	_ =	shalt  }
0x53: {  	_ =	shalt  }
0x54: {  	_ =	shalt  }
0x55: {  	_ =	shalt  }
0x56: {  	_ =	shalt  }
0x57: {  	_ =	shalt  }
0x58: {  	_ =	shalt  }
0x59: {  	_ =	shalt  }
0x5a: {  	_ =	shalt  }
0x5b: {  	_ =	shalt  }
0x5c: {  	_ =	shalt  }
0x5d: {  	_ =	shalt  }
0x5e: {  	_ =	shalt  }
0x5f: {  	_ =	shalt  }
0x60: {  	_ =	shalt  }
0x61: {  	_ =	shalt  }
0x62: {  	_ =	shalt  }
0x63: {  	_ =	shalt  }
0x64: {  	_ =	shalt  }
0x65: {  	_ =	shalt  }
0x66: {  	_ =	shalt  }
0x67: {  	_ =	shalt  }
0x68: {  	_ =	shalt  }
0x69: {  	_ =	shalt  }
0x6a: {  	_ =	shalt  }
0x6b: {  	_ =	shalt  }
0x6c: {  	_ =	shalt  }
0x6d: {  	_ =	shalt  }
0x6e: {  	_ =	shalt  }
0x6f: {  	_ =	shalt  }
0x70: {  	_ =	shalt  }
0x71: {  	_ =	shalt  }
0x72: {  	_ =	shalt  }
0x73: {  	_ =	shalt  }
0x74: {  	_ =	shalt  }
0x75: {  	_ =	shalt  }
0x76: {  	_ =	shalt  }
0x77: {  	_ =	shalt  }
0x78: {  	_ =	shalt  }
0x79: {  	_ =	shalt  }
0x7a: {  	_ =	shalt  }
0x7b: {  	_ =	shalt  }
0x7c: {  	_ =	shalt  }
0x7d: {  	_ =	shalt  }
0x7e: {  	_ =	shalt  }
0x7f: {  	_ =	shalt  }
0x80: {  	_ =	shalt  }
0x81: {  	_ =	shalt  }
0x82: {  	_ =	shalt  }
0x83: {  	_ =	shalt  }
0x84: {  	_ =	shalt  }
0x85: {  	_ =	shalt  }
0x86: {  	_ =	shalt  }
0x87: {  	_ =	shalt  }
.Lfunc_end0:
.L_simem_size_0:
called_computation.3_lowered:
.L_overlay_start_0:
0x88: {  	s2 =	sld [smem:$0x3FD9]  }
0x89: {  	s3 =	sld [smem:$0x3FFE];
	_ =	sdelay $0x1  }
0x8a: {  	s1 =	srdreg.scid  }
0x8b: {  	s0 =	sand.u32 $0x1, s1  }
0x8c: {  	s16 =	sshll.u32 s0, $0xA;
	s2 =	sadd.s32 s3, s2  }
0x8d: {  	s2 =	sadd.s32 s2, s16  }
0x8e: {  	[smem:$0x3FBC] =	sst s2  }
0x8f: {  	_ = 	snop  }
0x90: {  	(tm) =	ssettm $0x1  }
0x91: {  	s17 =	sld [smem:$0x3FFB];
	_ =	sdelay $0x3  }
0x92: {  	_ =	strace s17  }
0x93: {  	s2 =	sld [smem:$0x3FFC];
	_ =	sdelay $0x3  }
0x94: {  	_ =	strace s2  }
0x95: {  	s2 =	sld [smem:$0x3FFD];
	_ =	sdelay $0x3  }
0x96: {  	_ =	strace s2  }
0x97: {  	_ =	strace $0x8FFFFFFF  }
0x98: {  	s18 =	sld [smem:$0x3FDB];
	_ =	sdelay $0x1  }
0x99: {  	s19 =	simm.s32 $_scs_section_size  }
0x9a: {  	s4 =	simm.s32 $_size__tile_overlayer_lowered;
	s5 =	simm.s32 $_tile_overlayer_lowered  }
0x9b: {  	s22 =	simm.s32 $0x1BFF;
	s21 =	sshll.u32 s5, $0x1;
	s2 =	sadd.s32 s19, s18  }
0x9c: {  	s6 =	simm.s32 $0x0;
	s20 =	sshll.u32 s4, $0x1;
	s4 =	sadd.s32 s21, s2  }
0x9d: {  	[timem:s6], [sflag:s22] =	dma.local [hbm:s4], s20  }
0x9e: {  	_ =	swait.ge [sflag:s22], s20  }
0x9f: {  	s3 =	ssub.s32 $0x0, s20;
	[sflag:s22] =	ssyncset.done $0x0  }
0xa0: {  	[sflag:s22] =	ssyncadd.s32 s3;
	_ =	sdelay $0x1  }
0xa1: {  	s23 =	simm.s32 $0x1B8B  }
0xa2: {  	_ =	swait.ge [sflag:s23], $0x1  }
0xa3: {  	[sflag:s23] =	ssyncset.done $0x0  }
0xa4: {  	s25 =	simm.s32 $0x1B8E;
	s24 =	sld [smem:$0x3FFE];
	[sflag:s23] =	ssyncadd.s32 $0xFFFFFFFF  }
0xa5: {  	s26 =	simm.s32 $execute0_lowered;
	[smem:$0x3FD2] =	sst s25  }
0xa6: {  	s4 =	sshll.u32 s26, $0x1;
	_ =	strace $0x8000004F;
	[dreg:$0x1] =	wrdreg $0xFFFFFFFF  }
0xa7: {  	s28 =	simm.s32 $_size_execute0_lowered;
	s2 =	sadd.s32 s2, s4;
	[dreg:$0x0] =	wrdreg $0x0  }
0xa8: {  	s4 =	sshll.u32 s28, $0x1;
	[dreg:$0x2] =	wrdreg s2  }
0xa9: {  	[dreg:$0x3] =	wrdreg s4  }
0xaa: {  	[dreg:$0x4] =	wrdreg $0xC0  }
0xab: {  	_ =	task [dreg:s6], $0x5FFFF  }
0xac: {  	[dreg:$0x1] =	wrdreg $0xFFFFFFFF  }
0xad: {  	[dreg:$0x0] =	wrdreg $0x60  }
0xae: {  	[dreg:$0x2] =	wrdreg s24  }
0xaf: {  	[dreg:$0x3] =	wrdreg $0xAA00  }
0xb0: {  	[dreg:$0x4] =	wrdreg $0x9  }
0xb1: {  	_ =	task.clear_ibuf [dreg:s6], $0x5FFFF;
	_ =	strace $0x9000004F  }
0xb2: {  	s29 =	simm.s32 $0x9;
	_ =	strace $0x80000051  }
0xb3: {  	_ =	swait.ge [sflag:s29], $0x1  }
0xb4: {  	[sflag:s29] =	ssyncadd.s32 $0xFFFFFFFF  }
0xb5: {  	_ =	strace $0x90000051  }
0xb6: {  	_ =	sfence  }
0xb7: {  	s30 =	sld [smem:$0x0];
	_ =	sdelay $0x2  }
0xb8: {  	s31 =	sshll.u32 s1, $0xD;
	s1 =	sshrl.u32 s1, $0x2  }
0xb9: {  	s3 =	sand.u32 $0x4000, s31;
	s1 =	sadd.s32 s1, s30  }
0xba: {  	s0 =	sor.u32 s3, s0;
	s1 =	sshll.u32 s1, $0x11  }
0xbb: {  	s0 =	sor.u32 s1, s0  }
0xbc: {  	s0 =	sadd.s32 $0x8F2B, s0  }
0xbd: {  	[sflag:s0] =	ssyncadd.remote.s32 $0x1  }
0xbe: {  	_ =	sfence.sel $0xFFFF  }
0xbf: {  	[dreg:$0x0] =	wrdreg $0xFFFFFFFF;
	(pc) =	sbr.abs _section_cstart, $3  }
0xc0: {  	[dreg:$0x1] =	wrdreg $0xFFFFFFFF  }
0xc1: {  	_ =	task.clear_ibuf [dreg:s6], $0x2FFFF;
	_ =	strace $0x9FFFFFFF  }
0xc2: {  	(tm) =	ssettm $0x7FFFFFFF  }
0xc3: {  	_ =	shalt  }
tec
execute0_lowered:
.L_overlay_start_1:
0x0: {  	(tag) =	ssettag $0x1  }
0x1: {  	s8 =	rddreg [dreg:$0x0]  }
0x2: {  	s2 =	rddreg [dreg:$0x1]  }
0x3: {  	s0 =	rddreg [dreg:$0x2]  }
0x4: {  	s1 =	stileid.u32;
	s5 =	srdreg.scid;
	s3 =	simm.s32 $0x0  }
0x5: {  	s14 =	simm.s32 $0xA0;
	s15 =	simm.s32 $0x1;
	s4 =	smul.u32 $0x9C4, s1  }
0x6: {  	s16 =	simm.s32 $0x0;
	s6 =	smul.u32 $0x5000, s1;
	s7 =	sand.u32 $0x1, s5  }
0x7: {  	[smem:$0x7FF] =	sst s3;
	s31 =	sshll.u32 s1, $0x6;
	s5 =	smul.u32 $0x50000, s7  }
0x8: {  	_ =	strace $0x80000050;
	s30 =	ssub.s32 $0x2, s7;
	p0 =	seq.s32 s7, $0x1  }
0x9: {  	s10 =	sadd.s32 s4, s8;
	s9 =	sshrl.u32 s6, $0x3;
	s11 =	sshrl.u32 s30, $0x1  }
0xa: {  	s13 =	sadd.s32 s6, s2;
	s29 =	sadd.s32 s6, s5;
	s9 =	sadd.s32 s9, s8  }
0xb: {  	s11 =	ssub.s32 s30, s11;
	s5 =	sor.u32 $0x1C02, s31;
	s4 =	sshrl.u32 s29, $0x3  }
0xc: {  	s7 =	smax.u32 s11, $0x1;
	s11 =	sshrl.u32 s13, $0x3;
	s13 =	simm.s32 $0x50  }
0xd: {  	s12 =	sadd.s32 s4, s8;
	s4 =	sadd.s32 $0x2A600, s9;
	s9 =	simm.s32 $0x16600  }
0xe: {  	s6 =	sadd.s32 $0x34600, s12;
	s9 =	simm.s32 @!p0 $0x20600;
	s12 =	simm.s32 $0x2  }
0xf: {  	s8 =	sadd.s32 s9, s8;
	s9 =	sadd.s32 $0x2A00, s10;
	s10 =	sadd.s32 $0xC800, s10  }
.LBB2_1:
0x10: {  	[spmem:s11], [sflag:s5] =	dma.local [hbm:s4], $0xA00  }
0x11: {  	_ =	swait.ge [sflag:s12], $0xA00  }
0x12: {  	[sflag:s12] =	ssyncset.done $0x0  }
0x13: {  	[sflag:s12] =	ssyncadd.s32 $0xFFFFF600  }
0x14: {  	s17 =	sadd.s32 $0x0, s10;
	[bflag:$0x0] =	sbarrier.arrive $0xFFFF  }
0x15: {  	[tilespmem:s3], [sflag:$0x2] =	stream.linear.gather [hbm4b:s17+s3], $0x50, $0x38;
	[tilespmem:$0x5AA0] =	vst v63  }
0x16: {  	_ =	swait.ge [sflag:s12], $0x50  }
0x17: {  	[sflag:s12] =	ssyncset.done $0x0  }
0x18: {  	s31 =	sadd.s32 $0x0, s9;
	[sflag:s12] =	ssyncadd.s32 $0xFFFFFFB0  }
0x19: {  	[tilespmem:s13], [sflag:$0x2] =	stream.linear.gather [hbm4b:s31+s3], $0x50, $0x38;
	[tilespmem:$0x5AA0] =	vst v63  }
0x1a: {  	_ =	swait.ge [sflag:s12], $0x50  }
0x1b: {  	[sflag:s12] =	ssyncset.done $0x0  }
0x1c: {  	[sflag:s12] =	ssyncadd.s32 $0xFFFFFFB0  }
0x1d: {  	[tilespmem:s14], [sflag:$0x1] =	stream.indirect.gather [hbm4b:s8+s13], $0x20, s3, s13, $0xb8;
	[tilespmem:$0x5AA0] =	vst v63  }
0x1e: {  	_ =	swait.ge [sflag:s15], $0xA00  }
0x1f: {  	[sflag:s15] =	ssyncset.done $0x0  }
0x20: {  	[sflag:s15] =	ssyncadd.s32 $0xFFFFF600  }
0x21: {  	[spmem:s2] =	stream.indirect.scatter.add.f32 [tilespmem:s14], [sflag:$0x2], $0x20, s13, s13, $0xb8;
	[tilespmem:$0x5AA0] =	vst v63  }
0x22: {  	_ =	swait.ge [sflag:s12], $0xA00  }
0x23: {  	s18 =	simm.s32 $0x14;
	s17 =	simm.s32 $0xA;
	[sflag:s12] =	ssyncset.done $0x0  }
.LBB2_2:
0x24: {  	s19 =	sadd.s32 s17, s10  }
0x25: {  	[sflag:s12] =	ssyncadd.s32 $0xFFFFF600;
	s20 =	smov.u32 s18;
	s21 =	sadd.s32 $0xA, s18  }
0x26: {  	[tilespmem:s3], [sflag:$0x2] =	stream.linear.gather [hbm4b:s19+s3], $0x50, $0x38;
	[tilespmem:$0x5AA0] =	vst v63  }
0x27: {  	p0 =	sne.s32 s18, $0x9BA;
	_ =	swait.ge [sflag:s12], $0x50  }
0x28: {  	[sflag:s12] =	ssyncset.done $0x0  }
0x29: {  	s18 =	sadd.s32 s17, s9;
	s17 =	smov.u32 s20;
	[sflag:s12] =	ssyncadd.s32 $0xFFFFFFB0  }
0x2a: {  	[tilespmem:s13], [sflag:$0x2] =	stream.linear.gather [hbm4b:s18+s3], $0x50, $0x38;
	[tilespmem:$0x5AA0] =	vst v63  }
0x2b: {  	_ =	swait.ge [sflag:s12], $0x50  }
0x2c: {  	[sflag:s12] =	ssyncset.done $0x0  }
0x2d: {  	[sflag:s12] =	ssyncadd.s32 $0xFFFFFFB0  }
0x2e: {  	[tilespmem:s14], [sflag:$0x1] =	stream.indirect.gather [hbm4b:s8+s13], $0x20, s3, s13, $0xb8;
	[tilespmem:$0x5AA0] =	vst v63  }
0x2f: {  	_ =	swait.ge [sflag:s15], $0xA00  }
.Ltmp0:
0x30: {  	[sflag:s15] =	ssyncset.done $0x0;
	(pc) =	sbr.rel @p0 .LBB2_2-.Ltmp0, $4  }
0x31: {  	[sflag:s15] =	ssyncadd.s32 $0xFFFFF600  }
0x32: {  	[spmem:s2] =	stream.indirect.scatter.add.f32 [tilespmem:s14], [sflag:$0x2], $0x20, s13, s13, $0xb8;
	[tilespmem:$0x5AA0] =	vst v63  }
0x33: {  	_ =	swait.ge [sflag:s12], $0xA00  }
0x34: {  	s18 =	smov.u32 s21;
	[sflag:s12] =	ssyncset.done $0x0  }
0x35: {  	s18 =	sadd.s32 s17, s10;
	[sflag:s12] =	ssyncadd.s32 $0xFFFFF600  }
0x36: {  	[tilespmem:s3], [sflag:$0x2] =	stream.linear.gather [hbm4b:s18+s3], $0x50, $0x38;
	[tilespmem:$0x5AA0] =	vst v63  }
0x37: {  	_ =	swait.ge [sflag:s12], $0x50  }
0x38: {  	[sflag:s12] =	ssyncset.done $0x0  }
0x39: {  	s31 =	sadd.s32 s17, s9;
	[sflag:s12] =	ssyncadd.s32 $0xFFFFFFB0  }
0x3a: {  	[tilespmem:s13], [sflag:$0x2] =	stream.linear.gather [hbm4b:s31+s3], $0x50, $0x38;
	[tilespmem:$0x5AA0] =	vst v63  }
0x3b: {  	_ =	swait.ge [sflag:s12], $0x50  }
0x3c: {  	[sflag:s12] =	ssyncset.done $0x0  }
0x3d: {  	[sflag:s12] =	ssyncadd.s32 $0xFFFFFFB0  }
0x3e: {  	[tilespmem:s14], [sflag:$0x1] =	stream.indirect.gather [hbm4b:s8+s13], $0x20, s3, s13, $0xb8;
	[tilespmem:$0x5AA0] =	vst v63  }
0x3f: {  	_ =	swait.ge [sflag:s15], $0xA00  }
0x40: {  	[sflag:s15] =	ssyncset.done $0x0  }
0x41: {  	[sflag:s15] =	ssyncadd.s32 $0xFFFFF600  }
0x42: {  	[spmem:s2] =	stream.indirect.scatter.add.f32 [tilespmem:s14], [sflag:$0x2], $0x20, s13, s13, $0xb8;
	[tilespmem:$0x5AA0] =	vst v63  }
0x43: {  	_ =	swait.ge [sflag:s12], $0xA00  }
0x44: {  	s16 =	sadd.s32 $0x1, s16;
	[sflag:s12] =	ssyncset.done $0x0  }
0x45: {  	p0 =	sne.s32 s16, s7;
	[sflag:s12] =	ssyncadd.s32 $0xFFFFF600  }
.Ltmp1:
0x46: {  	[bflag:$0x0] =	sbarrier.arrive $0xFFFF;
	(pc) =	sbr.rel @p0 .LBB2_1-.Ltmp1, $4  }
0x47: {  	[hbm:s6], [sflag:s5] =	dma.local [spmem:s11], $0xA00  }
0x48: {  	_ =	swait.ge [sflag:s12], $0xA00  }
0x49: {  	[sflag:s12] =	ssyncset.done $0x0  }
0x4a: {  	[sflag:s12] =	ssyncadd.s32 $0xFFFFF600  }
0x4b: {  	_ =	sfence.sel $0x180000  }
0x4c: {  	[bflag:$0x0] =	sbarrier.arrive $0xFFFF  }
0x4d: {  	p0 =	sne.s32 s1, $0x0;
	_ =	strace $0x90000050  }
0x4e: {  	s0 =	sadd.s32 @!p0 $0x100000, s0;
	[bflag:$0x2] =	sbarrier.arrive $0xFFFF  }
0x4f: {  	[sflag:s0] =	ssyncadd.tile.s32 @!p0 $0x1;
	_ =	shalt  }
.Lfunc_end2:
_tile_overlayer_lowered:
.L_overlay_start_2:
0x50: {  	(tag) =	ssettag $0x2  }
0x51: {  	s0 =	rddreg [dreg:$0x0];
	s2 =	stileid.u32  }
0x52: {  	s1 =	rddreg [dreg:$0x1];
	p0 =	sne.s32 s2, $0x0  }
0x53: {  	s3 =	rddreg [dreg:$0x2];
	[bflag:$0x3] =	sbarrier.arrive $0xFFFF;
	s2 =	simm.s32 @!p0 $0x1C02  }
0x54: {  	[timem:s3], [sflag:s2] =	dma.local @!p0 [hbm:s0], s1  }
0x55: {  	s0 =	simm.s32 @!p0 $0x2  }
0x56: {  	_ =	swait.ge @!p0 [sflag:s0], s1  }
0x57: {  	s1 =	ssub.s32 @!p0 $0x0, s1;
	[sflag:s0] =	ssyncset.done @!p0 $0x0  }
0x58: {  	[sflag:s0] =	ssyncadd.s32 @!p0 s1  }
0x59: {  	[bflag:$0x3] =	sbarrier.arrive $0xFFFF  }
0x5a: {  	_ =	shalt  }

</sc_bundles>
